<compile_context>
chip_gen: v7x
topology: tpu7x:2x2x1
jax: 0.10.2.dev20260603
libtpu: 0.0.44.dev20260713+nightly
codegen_flags: <defaults>
</compile_context>

<pallas_src>
import functools

import jax
import jax.numpy as jnp
from jax import lax
from jax.experimental import pallas as pl
from jax.experimental.pallas import tpu as pltpu
from jax.experimental.pallas import tpu_sc as plsc

B = 2
CIN = 64
D = 16
S = 512
COUT = CIN + D
RCH = 16
RR = S // RCH
NCH = 4 * RCH

_mesh = plsc.VectorSubcoreMesh(core_axis_name="c", subcore_axis_name="s")


@functools.partial(
    pl.kernel,
    mesh=_mesh,
    out_type=jax.ShapeDtypeStruct((B, COUT, S, S), jnp.float32),
    scratch_types=[
        pltpu.VMEM((2, RR, S), jnp.float32),
        pltpu.VMEM((S, D), jnp.float32),
        pltpu.VMEM((2, 16, S), jnp.float32),
        pltpu.SemaphoreType.DMA,
        pltpu.SemaphoreType.DMA,
        pltpu.SemaphoreType.DMA,
        pltpu.SemaphoreType.DMA,
    ],
)
def _concat_dist_emb(inp, table, out, buf, e_v, w_v, sem_in, sem_out,
                     sem_tab, sem_win):
    w = lax.axis_index("s") * 2 + lax.axis_index("c")

    tab_dma = pltpu.async_copy(table, e_v, sem_tab)

    b_cp = w // 16
    ch0 = (w % 16) * 4

    def copy_refs(n):
        chan = ch0 + n // RCH
        r0 = pl.multiple_of((n % RCH) * RR, RR)
        slot = lax.rem(n, 2)
        return inp.at[b_cp, chan, pl.ds(r0, RR)], buf.at[slot], \
            out.at[b_cp, chan, pl.ds(r0, RR)]

    def fire_gather(n):
        src, stage, _ = copy_refs(n)
        pltpu.async_copy(src, stage, sem_in)

    def wait_gather(n):
        src, stage, _ = copy_refs(n)
        pltpu.make_async_copy(src, stage, sem_in).wait()

    def fire_scatter(n):
        _, stage, dst = copy_refs(n)
        pltpu.async_copy(stage, dst, sem_out)

    def wait_scatter(n):
        _, stage, dst = copy_refs(n)
        pltpu.make_async_copy(stage, dst, sem_out).wait()

    ch = CIN + w // 2
    row_base = 256 * (w % 2)

    def win_refs(t, b):
        slot = lax.rem(t, 2)
        r0 = pl.multiple_of(row_base + 16 * t, 16)
        return w_v.at[slot], out.at[b, ch, pl.ds(r0, 16)]

    def assemble(t):
        i = 16 * w + t
        slot = lax.rem(t, 2)

        def body(r, carry):
            m0 = 32 * r - i
            for c in range(32):
                w_v[slot, r, pl.ds(16 * c, 16)] = e_v[jnp.abs(m0 + c)]
            return carry

        lax.fori_loop(0, 16, body, 0)

    tab_dma.wait()
    fire_gather(0)

    def loop_body(n, carry):
        @pl.when(n + 1 < NCH)
        def _():
            @pl.when(n >= 1)
            def _():
                wait_scatter(n - 1)
            fire_gather(n + 1)

        wait_gather(n)
        fire_scatter(n)

        @pl.when(lax.rem(n, 4) == 3)
        def _():
            t = n // 4

            @pl.when(t >= 2)
            def _():
                for b in range(B):
                    src, dst = win_refs(t - 2, b)
                    pltpu.make_async_copy(src, dst, sem_win).wait()

            assemble(t)
            for b in range(B):
                src, dst = win_refs(t, b)
                pltpu.async_copy(src, dst, sem_win)

        return carry

    lax.fori_loop(0, NCH, loop_body, 0)

    wait_scatter(NCH - 2)
    wait_scatter(NCH - 1)
    for t in (14, 15):
        for b in range(B):
            src, dst = win_refs(t, b)
            pltpu.make_async_copy(src, dst, sem_win).wait()


def kernel(inputs, emb_table):
    return _concat_dist_emb(inputs, emb_table)

# --- scband reference (transcript-rebuilt; emitter-appended) ---
"""Pipeline reference for scband-concat-dist2d-embedding-50740743635723 (READ-ONLY COPY).

The authoritative reference and input builder live on the scoring server;
editing this copy changes nothing except your own understanding.
"""

import jax, jax.numpy as jnp
import numpy as np


def setup_inputs(seed: int = 0) -> dict:
    key = jax.random.key(seed)
    k1, k2 = jax.random.split(key)
    inputs = jax.random.normal(k1, (2, 64, 512, 512), dtype=jnp.float32)
    emb_table = jax.random.normal(k2, (512, 16), dtype=jnp.float32) * 0.02
    return {"inputs": inputs, "emb_table": emb_table}


def reference(inputs, emb_table):
    batch_size = inputs.shape[0]
    seq_len = inputs.shape[2]
    pos = jnp.arange(seq_len)[:, None]                 # [S, 1]
    matrix_repr1 = jnp.tile(pos, (1, seq_len))          # [S, S]
    matrix_repr2 = matrix_repr1.T                       # [S, S]
    dist = jnp.abs(matrix_repr1 - matrix_repr2)         # [S, S], values in [0, S-1]
    # emb lookup: [1, S*S] -> [1, S*S, out] -> reshape [1, out, S, S] (faithful to torch .view)
    emb = jnp.take(emb_table, dist.reshape(1, -1), axis=0)
    emb = emb.reshape(1, -1, seq_len, seq_len)
    emb = jnp.tile(emb, (batch_size, 1, 1, 1))
    return jnp.concatenate([inputs, emb], axis=1)

if __name__ == "__main__":
    import jax
    _d = setup_inputs()
    print(jax.jit(kernel)(*tuple(_d.values())))

</pallas_src>

<mosaic_0001>
#map = affine_map<(d0, d1) -> (0, 0, 0, 0)>
#map1 = affine_map<(d0, d1) -> (0, 0)>
module attributes {stable_mosaic.version = 14 : i64} {
  func.func @_concat_dist_emb(%arg0: i32, %arg1: i32, %arg2: memref<2x64x512x512xf32, #tpu.memory_space<hbm>>, %arg3: memref<512x16xf32, #tpu.memory_space<hbm>>, %arg4: memref<2x80x512x512xf32, #tpu.memory_space<hbm>>, %arg5: memref<2x32x512xf32, #tpu.memory_space<vmem>>, %arg6: memref<512x16xf32, #tpu.memory_space<vmem>>, %arg7: memref<2x16x512xf32, #tpu.memory_space<vmem>>, %arg8: memref<!tpu.dma_semaphore, #tpu.memory_space<semaphore_mem>>, %arg9: memref<!tpu.dma_semaphore, #tpu.memory_space<semaphore_mem>>, %arg10: memref<!tpu.dma_semaphore, #tpu.memory_space<semaphore_mem>>, %arg11: memref<!tpu.dma_semaphore, #tpu.memory_space<semaphore_mem>>) attributes {dimension_semantics = [#tpu.dimension_semantics<core_parallel>, #tpu.dimension_semantics<subcore_parallel>], iteration_bounds = array<i64: 2, 16>, scalar_prefetch = 0 : i64, scratch_operands = 7 : i64, tpu.core_type = #tpu.core_type<sc_vector_subcore>, window_params = [{transform_indices = #map}, {transform_indices = #map1}, {transform_indices = #map}]} {
    %mul3A = arith.constant 2 : i32
    %mul3A_0 = arith.muli %arg1, %mul3A : i32
    %add3A = arith.addi %mul3A_0, %arg0 : i32
    tpu.enqueue_dma source(%arg3 : memref<512x16xf32, #tpu.memory_space<hbm>>) target(%arg6 : memref<512x16xf32, #tpu.memory_space<vmem>>) target_semaphore(%arg10 : memref<!tpu.dma_semaphore, #tpu.memory_space<semaphore_mem>>)
    %jit3A = arith.constant 16 : i32
    %div3A = arith.divsi %add3A, %jit3A : i32
    %sign3A = arith.constant 0 : i32
    %sign3A_1 = arith.cmpi sgt, %add3A, %sign3A : i32
    %sign3A_2 = arith.extui %sign3A_1 : i1 to i32
    %sign3A_3 = arith.constant 0 : i32
    %sign3A_4 = arith.cmpi slt, %add3A, %sign3A_3 : i32
    %sign3A_5 = arith.extui %sign3A_4 : i1 to i32
    %sign3A_6 = arith.subi %sign3A_2, %sign3A_5 : i32
    %sign3A_7 = arith.constant 0 : i32
    %sign3A_8 = arith.cmpi sgt, %jit3A, %sign3A_7 : i32
    %sign3A_9 = arith.extui %sign3A_8 : i1 to i32
    %sign3A_10 = arith.constant 0 : i32
    %sign3A_11 = arith.cmpi slt, %jit3A, %sign3A_10 : i32
    %sign3A_12 = arith.extui %sign3A_11 : i1 to i32
    %sign3A_13 = arith.subi %sign3A_9, %sign3A_12 : i32
    %ne3A = arith.cmpi ne, %sign3A_6, %sign3A_13 : i32
    %rem3A = arith.remsi %add3A, %jit3A : i32
    %ne3A_14 = arith.constant 0 : i32
    %ne3A_15 = arith.cmpi ne, %rem3A, %ne3A_14 : i32
    %and3A = arith.andi %ne3A, %ne3A_15 : i1
    %sub3A = arith.constant 1 : i32
    %sub3A_16 = arith.subi %div3A, %sub3A : i32
    %select_n3A = arith.select %and3A, %sub3A_16, %div3A : i32
    %jit3A_17 = arith.constant 16 : i32
    %eq3A = arith.constant 0 : i32
    %eq3A_18 = arith.cmpi eq, %jit3A_17, %eq3A : i32
    %jit3A_19 = arith.constant 1 : i32
    %select_n3A_20 = arith.select %eq3A_18, %jit3A_19, %jit3A_17 : i32
    %rem3A_21 = arith.remsi %add3A, %select_n3A_20 : i32
    %ne3A_22 = arith.constant 0 : i32
    %ne3A_23 = arith.cmpi ne, %rem3A_21, %ne3A_22 : i32
    %lt3A = arith.constant 0 : i32
    %lt3A_24 = arith.cmpi slt, %rem3A_21, %lt3A : i32
    %lt3A_25 = arith.constant 0 : i32
    %lt3A_26 = arith.cmpi slt, %select_n3A_20, %lt3A_25 : i32
    %ne3A_27 = arith.xori %lt3A_24, %lt3A_26 : i1
    %and3A_28 = arith.andi %ne3A_27, %ne3A_23 : i1
    %add3A_29 = arith.addi %rem3A_21, %select_n3A_20 : i32
    %select_n3A_30 = arith.select %and3A_28, %add3A_29, %rem3A_21 : i32
    %mul3A_31 = arith.constant 4 : i32
    %mul3A_32 = arith.muli %select_n3A_30, %mul3A_31 : i32
    %jit3A_33 = arith.constant 2 : i32
    %div3A_34 = arith.divsi %add3A, %jit3A_33 : i32
    %sign3A_35 = arith.constant 0 : i32
    %sign3A_36 = arith.cmpi sgt, %add3A, %sign3A_35 : i32
    %sign3A_37 = arith.extui %sign3A_36 : i1 to i32
    %sign3A_38 = arith.constant 0 : i32
    %sign3A_39 = arith.cmpi slt, %add3A, %sign3A_38 : i32
    %sign3A_40 = arith.extui %sign3A_39 : i1 to i32
    %sign3A_41 = arith.subi %sign3A_37, %sign3A_40 : i32
    %sign3A_42 = arith.constant 0 : i32
    %sign3A_43 = arith.cmpi sgt, %jit3A_33, %sign3A_42 : i32
    %sign3A_44 = arith.extui %sign3A_43 : i1 to i32
    %sign3A_45 = arith.constant 0 : i32
    %sign3A_46 = arith.cmpi slt, %jit3A_33, %sign3A_45 : i32
    %sign3A_47 = arith.extui %sign3A_46 : i1 to i32
    %sign3A_48 = arith.subi %sign3A_44, %sign3A_47 : i32
    %ne3A_49 = arith.cmpi ne, %sign3A_41, %sign3A_48 : i32
    %rem3A_50 = arith.remsi %add3A, %jit3A_33 : i32
    %ne3A_51 = arith.constant 0 : i32
    %ne3A_52 = arith.cmpi ne, %rem3A_50, %ne3A_51 : i32
    %and3A_53 = arith.andi %ne3A_49, %ne3A_52 : i1
    %sub3A_54 = arith.constant 1 : i32
    %sub3A_55 = arith.subi %div3A_34, %sub3A_54 : i32
    %select_n3A_56 = arith.select %and3A_53, %sub3A_55, %div3A_34 : i32
    %add3A_57 = arith.constant 64 : i32
    %add3A_58 = arith.addi %add3A_57, %select_n3A_56 : i32
    %jit3A_59 = arith.constant 2 : i32
    %eq3A_60 = arith.constant 0 : i32
    %eq3A_61 = arith.cmpi eq, %jit3A_59, %eq3A_60 : i32
    %jit3A_62 = arith.constant 1 : i32
    %select_n3A_63 = arith.select %eq3A_61, %jit3A_62, %jit3A_59 : i32
    %rem3A_64 = arith.remsi %add3A, %select_n3A_63 : i32
    %ne3A_65 = arith.constant 0 : i32
    %ne3A_66 = arith.cmpi ne, %rem3A_64, %ne3A_65 : i32
    %lt3A_67 = arith.constant 0 : i32
    %lt3A_68 = arith.cmpi slt, %rem3A_64, %lt3A_67 : i32
    %lt3A_69 = arith.constant 0 : i32
    %lt3A_70 = arith.cmpi slt, %select_n3A_63, %lt3A_69 : i32
    %ne3A_71 = arith.xori %lt3A_68, %lt3A_70 : i1
    %and3A_72 = arith.andi %ne3A_71, %ne3A_66 : i1
    %add3A_73 = arith.addi %rem3A_64, %select_n3A_63 : i32
    %select_n3A_74 = arith.select %and3A_72, %add3A_73, %rem3A_64 : i32
    %mul3A_75 = arith.constant 256 : i32
    %mul3A_76 = arith.muli %mul3A_75, %select_n3A_74 : i32
    tpu.wait_dma2 semaphore(%arg10 : memref<!tpu.dma_semaphore, #tpu.memory_space<semaphore_mem>>) src(%arg3 : memref<512x16xf32, #tpu.memory_space<hbm>>) dst(%arg6 : memref<512x16xf32, #tpu.memory_space<vmem>>)
    %add3A_77 = arith.constant 0 : i32
    %add3A_78 = arith.addi %mul3A_32, %add3A_77 : i32
    %multiple_of3A = arith.constant 0 : i32
    %multiple_of3A_79 = tpu.assume_multiple %multiple_of3A, 32 : i32
    %rem3A_80 = arith.constant 0 : i32
    %rem3A_81 = arith.constant 2 : i32
    %rem3A_82 = arith.remsi %rem3A_80, %rem3A_81 : i32
    %dma_start3A = arith.constant 0 : i32
    %dma_start3A_83 = arith.constant 0 : i32
    %dma_start3A_84 = tpu.memref_slice %arg5[%rem3A_82, %dma_start3A, %dma_start3A_83] : memref<2x32x512xf32, #tpu.memory_space<vmem>> -> memref<1x32x512xf32, #tpu.memory_space<vmem>>
    %dma_start3A_85 = tpu.memref_squeeze %dma_start3A_84 : memref<1x32x512xf32, #tpu.memory_space<vmem>> -> memref<32x512xf32, #tpu.memory_space<vmem>>
    %dma_start3A_86 = arith.constant 0 : i32
    %dma_start3A_87 = tpu.memref_slice %arg2[%select_n3A, %add3A_78, %multiple_of3A_79, %dma_start3A_86] : memref<2x64x512x512xf32, #tpu.memory_space<hbm>> -> memref<1x1x32x512xf32, #tpu.memory_space<hbm>>
    %dma_start3A_88 = tpu.memref_squeeze %dma_start3A_87 : memref<1x1x32x512xf32, #tpu.memory_space<hbm>> -> memref<32x512xf32, #tpu.memory_space<hbm>>
    %dma_start3A_89 = arith.constant 0 : i32
    %dma_start3A_90 = arith.constant 0 : i32
    %dma_start3A_91 = tpu.memref_slice %arg5[%rem3A_82, %dma_start3A_89, %dma_start3A_90] : memref<2x32x512xf32, #tpu.memory_space<vmem>> -> memref<1x32x512xf32, #tpu.memory_space<vmem>>
    %dma_start3A_92 = tpu.memref_squeeze %dma_start3A_91 : memref<1x32x512xf32, #tpu.memory_space<vmem>> -> memref<32x512xf32, #tpu.memory_space<vmem>>
    %dma_start3A_93 = arith.constant 0 : i32
    %dma_start3A_94 = tpu.memref_slice %arg2[%select_n3A, %add3A_78, %multiple_of3A_79, %dma_start3A_93] : memref<2x64x512x512xf32, #tpu.memory_space<hbm>> -> memref<1x1x32x512xf32, #tpu.memory_space<hbm>>
    %dma_start3A_95 = tpu.memref_squeeze %dma_start3A_94 : memref<1x1x32x512xf32, #tpu.memory_space<hbm>> -> memref<32x512xf32, #tpu.memory_space<hbm>>
    tpu.enqueue_dma source(%dma_start3A_95 : memref<32x512xf32, #tpu.memory_space<hbm>>) target(%dma_start3A_92 : memref<32x512xf32, #tpu.memory_space<vmem>>) target_semaphore(%arg8 : memref<!tpu.dma_semaphore, #tpu.memory_space<semaphore_mem>>)
    %scan3A = arith.constant 0 : i32
    %scan3A_96 = arith.constant 0 : i32
    %scan3A_97 = arith.constant 64 : i32
    %scan3A_98 = arith.addi %scan3A_96, %scan3A_97 : i32
    %scan3A_99 = arith.constant 1 : i32
    scf.for %scan3A_226 = %scan3A_96 to %scan3A_98 step %scan3A_99  : i32 {
      %add3A_227 = arith.constant 1 : i32
      %add3A_228 = arith.addi %scan3A_226, %add3A_227 : i32
      %lt3A_229 = arith.constant 64 : i32
      %lt3A_230 = arith.cmpi slt, %add3A_228, %lt3A_229 : i32
      %convert_element_type3A = arith.extui %lt3A_230 : i1 to i32
      %cond3A = arith.constant 0 : i32
      %cond3A_231 = arith.cmpi ne, %convert_element_type3A, %cond3A : i32
      scf.if %cond3A_231 {
        %ge3A = arith.constant 1 : i32
        %ge3A_359 = arith.cmpi sge, %scan3A_226, %ge3A : i32
        %convert_element_type3A_360 = arith.extui %ge3A_359 : i1 to i32
        %cond3A_361 = arith.constant 0 : i32
        %cond3A_362 = arith.cmpi ne, %convert_element_type3A_360, %cond3A_361 : i32
        scf.if %cond3A_362 {
          %sub3A_425 = arith.constant 1 : i32
          %sub3A_426 = arith.subi %scan3A_226, %sub3A_425 : i32
          %jit3A_427 = arith.constant 16 : i32
          %div3A_428 = arith.divsi %sub3A_426, %jit3A_427 : i32
          %sign3A_429 = arith.constant 0 : i32
          %sign3A_430 = arith.cmpi sgt, %sub3A_426, %sign3A_429 : i32
          %sign3A_431 = arith.extui %sign3A_430 : i1 to i32
          %sign3A_432 = arith.constant 0 : i32
          %sign3A_433 = arith.cmpi slt, %sub3A_426, %sign3A_432 : i32
          %sign3A_434 = arith.extui %sign3A_433 : i1 to i32
          %sign3A_435 = arith.subi %sign3A_431, %sign3A_434 : i32
          %sign3A_436 = arith.constant 0 : i32
          %sign3A_437 = arith.cmpi sgt, %jit3A_427, %sign3A_436 : i32
          %sign3A_438 = arith.extui %sign3A_437 : i1 to i32
          %sign3A_439 = arith.constant 0 : i32
          %sign3A_440 = arith.cmpi slt, %jit3A_427, %sign3A_439 : i32
          %sign3A_441 = arith.extui %sign3A_440 : i1 to i32
          %sign3A_442 = arith.subi %sign3A_438, %sign3A_441 : i32
          %ne3A_443 = arith.cmpi ne, %sign3A_435, %sign3A_442 : i32
          %rem3A_444 = arith.remsi %sub3A_426, %jit3A_427 : i32
          %ne3A_445 = arith.constant 0 : i32
          %ne3A_446 = arith.cmpi ne, %rem3A_444, %ne3A_445 : i32
          %and3A_447 = arith.andi %ne3A_443, %ne3A_446 : i1
          %sub3A_448 = arith.constant 1 : i32
          %sub3A_449 = arith.subi %div3A_428, %sub3A_448 : i32
          %select_n3A_450 = arith.select %and3A_447, %sub3A_449, %div3A_428 : i32
          %add3A_451 = arith.addi %mul3A_32, %select_n3A_450 : i32
          %jit3A_452 = arith.constant 16 : i32
          %eq3A_453 = arith.constant 0 : i32
          %eq3A_454 = arith.cmpi eq, %jit3A_452, %eq3A_453 : i32
          %jit3A_455 = arith.constant 1 : i32
          %select_n3A_456 = arith.select %eq3A_454, %jit3A_455, %jit3A_452 : i32
          %rem3A_457 = arith.remsi %sub3A_426, %select_n3A_456 : i32
          %ne3A_458 = arith.constant 0 : i32
          %ne3A_459 = arith.cmpi ne, %rem3A_457, %ne3A_458 : i32
          %lt3A_460 = arith.constant 0 : i32
          %lt3A_461 = arith.cmpi slt, %rem3A_457, %lt3A_460 : i32
          %lt3A_462 = arith.constant 0 : i32
          %lt3A_463 = arith.cmpi slt, %select_n3A_456, %lt3A_462 : i32
          %ne3A_464 = arith.xori %lt3A_461, %lt3A_463 : i1
          %and3A_465 = arith.andi %ne3A_464, %ne3A_459 : i1
          %add3A_466 = arith.addi %rem3A_457, %select_n3A_456 : i32
          %select_n3A_467 = arith.select %and3A_465, %add3A_466, %rem3A_457 : i32
          %mul3A_468 = arith.constant 32 : i32
          %mul3A_469 = arith.muli %select_n3A_467, %mul3A_468 : i32
          %multiple_of3A_470 = tpu.assume_multiple %mul3A_469, 32 : i32
          %rem3A_471 = arith.constant 2 : i32
          %rem3A_472 = arith.remsi %sub3A_426, %rem3A_471 : i32
          %dma_wait3A_473 = arith.constant 0 : i32
          %dma_wait3A_474 = arith.constant 0 : i32
          %dma_wait3A_475 = tpu.memref_slice %arg5[%rem3A_472, %dma_wait3A_473, %dma_wait3A_474] : memref<2x32x512xf32, #tpu.memory_space<vmem>> -> memref<1x32x512xf32, #tpu.memory_space<vmem>>
          %dma_wait3A_476 = tpu.memref_squeeze %dma_wait3A_475 : memref<1x32x512xf32, #tpu.memory_space<vmem>> -> memref<32x512xf32, #tpu.memory_space<vmem>>
          %dma_wait3A_477 = arith.constant 0 : i32
          %dma_wait3A_478 = tpu.memref_slice %arg4[%select_n3A, %add3A_451, %multiple_of3A_470, %dma_wait3A_477] : memref<2x80x512x512xf32, #tpu.memory_space<hbm>> -> memref<1x1x32x512xf32, #tpu.memory_space<hbm>>
          %dma_wait3A_479 = tpu.memref_squeeze %dma_wait3A_478 : memref<1x1x32x512xf32, #tpu.memory_space<hbm>> -> memref<32x512xf32, #tpu.memory_space<hbm>>
          %dma_wait3A_480 = arith.constant 0 : i32
          %dma_wait3A_481 = tpu.memref_slice %arg4[%select_n3A, %add3A_451, %multiple_of3A_470, %dma_wait3A_480] : memref<2x80x512x512xf32, #tpu.memory_space<hbm>> -> memref<1x1x32x512xf32, #tpu.memory_space<hbm>>
          %dma_wait3A_482 = tpu.memref_squeeze %dma_wait3A_481 : memref<1x1x32x512xf32, #tpu.memory_space<hbm>> -> memref<32x512xf32, #tpu.memory_space<hbm>>
          %dma_wait3A_483 = arith.constant 0 : i32
          %dma_wait3A_484 = arith.constant 0 : i32
          %dma_wait3A_485 = tpu.memref_slice %arg5[%rem3A_472, %dma_wait3A_483, %dma_wait3A_484] : memref<2x32x512xf32, #tpu.memory_space<vmem>> -> memref<1x32x512xf32, #tpu.memory_space<vmem>>
          %dma_wait3A_486 = tpu.memref_squeeze %dma_wait3A_485 : memref<1x32x512xf32, #tpu.memory_space<vmem>> -> memref<32x512xf32, #tpu.memory_space<vmem>>
          tpu.wait_dma2 semaphore(%arg9 : memref<!tpu.dma_semaphore, #tpu.memory_space<semaphore_mem>>) src(%dma_wait3A_486 : memref<32x512xf32, #tpu.memory_space<vmem>>) dst(%dma_wait3A_482 : memref<32x512xf32, #tpu.memory_space<hbm>>)
        } else {
        }
        %add3A_363 = arith.constant 1 : i32
        %add3A_364 = arith.addi %scan3A_226, %add3A_363 : i32
        %jit3A_365 = arith.constant 16 : i32
        %div3A_366 = arith.divsi %add3A_364, %jit3A_365 : i32
        %sign3A_367 = arith.constant 0 : i32
        %sign3A_368 = arith.cmpi sgt, %add3A_364, %sign3A_367 : i32
        %sign3A_369 = arith.extui %sign3A_368 : i1 to i32
        %sign3A_370 = arith.constant 0 : i32
        %sign3A_371 = arith.cmpi slt, %add3A_364, %sign3A_370 : i32
        %sign3A_372 = arith.extui %sign3A_371 : i1 to i32
        %sign3A_373 = arith.subi %sign3A_369, %sign3A_372 : i32
        %sign3A_374 = arith.constant 0 : i32
        %sign3A_375 = arith.cmpi sgt, %jit3A_365, %sign3A_374 : i32
        %sign3A_376 = arith.extui %sign3A_375 : i1 to i32
        %sign3A_377 = arith.constant 0 : i32
        %sign3A_378 = arith.cmpi slt, %jit3A_365, %sign3A_377 : i32
        %sign3A_379 = arith.extui %sign3A_378 : i1 to i32
        %sign3A_380 = arith.subi %sign3A_376, %sign3A_379 : i32
        %ne3A_381 = arith.cmpi ne, %sign3A_373, %sign3A_380 : i32
        %rem3A_382 = arith.remsi %add3A_364, %jit3A_365 : i32
        %ne3A_383 = arith.constant 0 : i32
        %ne3A_384 = arith.cmpi ne, %rem3A_382, %ne3A_383 : i32
        %and3A_385 = arith.andi %ne3A_381, %ne3A_384 : i1
        %sub3A_386 = arith.constant 1 : i32
        %sub3A_387 = arith.subi %div3A_366, %sub3A_386 : i32
        %select_n3A_388 = arith.select %and3A_385, %sub3A_387, %div3A_366 : i32
        %add3A_389 = arith.addi %mul3A_32, %select_n3A_388 : i32
        %jit3A_390 = arith.constant 16 : i32
        %eq3A_391 = arith.constant 0 : i32
        %eq3A_392 = arith.cmpi eq, %jit3A_390, %eq3A_391 : i32
        %jit3A_393 = arith.constant 1 : i32
        %select_n3A_394 = arith.select %eq3A_392, %jit3A_393, %jit3A_390 : i32
        %rem3A_395 = arith.remsi %add3A_364, %select_n3A_394 : i32
        %ne3A_396 = arith.constant 0 : i32
        %ne3A_397 = arith.cmpi ne, %rem3A_395, %ne3A_396 : i32
        %lt3A_398 = arith.constant 0 : i32
        %lt3A_399 = arith.cmpi slt, %rem3A_395, %lt3A_398 : i32
        %lt3A_400 = arith.constant 0 : i32
        %lt3A_401 = arith.cmpi slt, %select_n3A_394, %lt3A_400 : i32
        %ne3A_402 = arith.xori %lt3A_399, %lt3A_401 : i1
        %and3A_403 = arith.andi %ne3A_402, %ne3A_397 : i1
        %add3A_404 = arith.addi %rem3A_395, %select_n3A_394 : i32
        %select_n3A_405 = arith.select %and3A_403, %add3A_404, %rem3A_395 : i32
        %mul3A_406 = arith.constant 32 : i32
        %mul3A_407 = arith.muli %select_n3A_405, %mul3A_406 : i32
        %multiple_of3A_408 = tpu.assume_multiple %mul3A_407, 32 : i32
        %rem3A_409 = arith.constant 2 : i32
        %rem3A_410 = arith.remsi %add3A_364, %rem3A_409 : i32
        %dma_start3A_411 = arith.constant 0 : i32
        %dma_start3A_412 = arith.constant 0 : i32
        %dma_start3A_413 = tpu.memref_slice %arg5[%rem3A_410, %dma_start3A_411, %dma_start3A_412] : memref<2x32x512xf32, #tpu.memory_space<vmem>> -> memref<1x32x512xf32, #tpu.memory_space<vmem>>
        %dma_start3A_414 = tpu.memref_squeeze %dma_start3A_413 : memref<1x32x512xf32, #tpu.memory_space<vmem>> -> memref<32x512xf32, #tpu.memory_space<vmem>>
        %dma_start3A_415 = arith.constant 0 : i32
        %dma_start3A_416 = tpu.memref_slice %arg2[%select_n3A, %add3A_389, %multiple_of3A_408, %dma_start3A_415] : memref<2x64x512x512xf32, #tpu.memory_space<hbm>> -> memref<1x1x32x512xf32, #tpu.memory_space<hbm>>
        %dma_start3A_417 = tpu.memref_squeeze %dma_start3A_416 : memref<1x1x32x512xf32, #tpu.memory_space<hbm>> -> memref<32x512xf32, #tpu.memory_space<hbm>>
        %dma_start3A_418 = arith.constant 0 : i32
        %dma_start3A_419 = arith.constant 0 : i32
        %dma_start3A_420 = tpu.memref_slice %arg5[%rem3A_410, %dma_start3A_418, %dma_start3A_419] : memref<2x32x512xf32, #tpu.memory_space<vmem>> -> memref<1x32x512xf32, #tpu.memory_space<vmem>>
        %dma_start3A_421 = tpu.memref_squeeze %dma_start3A_420 : memref<1x32x512xf32, #tpu.memory_space<vmem>> -> memref<32x512xf32, #tpu.memory_space<vmem>>
        %dma_start3A_422 = arith.constant 0 : i32
        %dma_start3A_423 = tpu.memref_slice %arg2[%select_n3A, %add3A_389, %multiple_of3A_408, %dma_start3A_422] : memref<2x64x512x512xf32, #tpu.memory_space<hbm>> -> memref<1x1x32x512xf32, #tpu.memory_space<hbm>>
        %dma_start3A_424 = tpu.memref_squeeze %dma_start3A_423 : memref<1x1x32x512xf32, #tpu.memory_space<hbm>> -> memref<32x512xf32, #tpu.memory_space<hbm>>
        tpu.enqueue_dma source(%dma_start3A_424 : memref<32x512xf32, #tpu.memory_space<hbm>>) target(%dma_start3A_421 : memref<32x512xf32, #tpu.memory_space<vmem>>) target_semaphore(%arg8 : memref<!tpu.dma_semaphore, #tpu.memory_space<semaphore_mem>>)
      } else {
      }
      %jit3A_232 = arith.constant 16 : i32
      %div3A_233 = arith.divsi %scan3A_226, %jit3A_232 : i32
      %sign3A_234 = arith.constant 0 : i32
      %sign3A_235 = arith.cmpi sgt, %scan3A_226, %sign3A_234 : i32
      %sign3A_236 = arith.extui %sign3A_235 : i1 to i32
      %sign3A_237 = arith.constant 0 : i32
      %sign3A_238 = arith.cmpi slt, %scan3A_226, %sign3A_237 : i32
      %sign3A_239 = arith.extui %sign3A_238 : i1 to i32
      %sign3A_240 = arith.subi %sign3A_236, %sign3A_239 : i32
      %sign3A_241 = arith.constant 0 : i32
      %sign3A_242 = arith.cmpi sgt, %jit3A_232, %sign3A_241 : i32
      %sign3A_243 = arith.extui %sign3A_242 : i1 to i32
      %sign3A_244 = arith.constant 0 : i32
      %sign3A_245 = arith.cmpi slt, %jit3A_232, %sign3A_244 : i32
      %sign3A_246 = arith.extui %sign3A_245 : i1 to i32
      %sign3A_247 = arith.subi %sign3A_243, %sign3A_246 : i32
      %ne3A_248 = arith.cmpi ne, %sign3A_240, %sign3A_247 : i32
      %rem3A_249 = arith.remsi %scan3A_226, %jit3A_232 : i32
      %ne3A_250 = arith.constant 0 : i32
      %ne3A_251 = arith.cmpi ne, %rem3A_249, %ne3A_250 : i32
      %and3A_252 = arith.andi %ne3A_248, %ne3A_251 : i1
      %sub3A_253 = arith.constant 1 : i32
      %sub3A_254 = arith.subi %div3A_233, %sub3A_253 : i32
      %select_n3A_255 = arith.select %and3A_252, %sub3A_254, %div3A_233 : i32
      %add3A_256 = arith.addi %mul3A_32, %select_n3A_255 : i32
      %jit3A_257 = arith.constant 16 : i32
      %eq3A_258 = arith.constant 0 : i32
      %eq3A_259 = arith.cmpi eq, %jit3A_257, %eq3A_258 : i32
      %jit3A_260 = arith.constant 1 : i32
      %select_n3A_261 = arith.select %eq3A_259, %jit3A_260, %jit3A_257 : i32
      %rem3A_262 = arith.remsi %scan3A_226, %select_n3A_261 : i32
      %ne3A_263 = arith.constant 0 : i32
      %ne3A_264 = arith.cmpi ne, %rem3A_262, %ne3A_263 : i32
      %lt3A_265 = arith.constant 0 : i32
      %lt3A_266 = arith.cmpi slt, %rem3A_262, %lt3A_265 : i32
      %lt3A_267 = arith.constant 0 : i32
      %lt3A_268 = arith.cmpi slt, %select_n3A_261, %lt3A_267 : i32
      %ne3A_269 = arith.xori %lt3A_266, %lt3A_268 : i1
      %and3A_270 = arith.andi %ne3A_269, %ne3A_264 : i1
      %add3A_271 = arith.addi %rem3A_262, %select_n3A_261 : i32
      %select_n3A_272 = arith.select %and3A_270, %add3A_271, %rem3A_262 : i32
      %mul3A_273 = arith.constant 32 : i32
      %mul3A_274 = arith.muli %select_n3A_272, %mul3A_273 : i32
      %multiple_of3A_275 = tpu.assume_multiple %mul3A_274, 32 : i32
      %rem3A_276 = arith.constant 2 : i32
      %rem3A_277 = arith.remsi %scan3A_226, %rem3A_276 : i32
      %dma_wait3A_278 = arith.constant 0 : i32
      %dma_wait3A_279 = arith.constant 0 : i32
      %dma_wait3A_280 = tpu.memref_slice %arg5[%rem3A_277, %dma_wait3A_278, %dma_wait3A_279] : memref<2x32x512xf32, #tpu.memory_space<vmem>> -> memref<1x32x512xf32, #tpu.memory_space<vmem>>
      %dma_wait3A_281 = tpu.memref_squeeze %dma_wait3A_280 : memref<1x32x512xf32, #tpu.memory_space<vmem>> -> memref<32x512xf32, #tpu.memory_space<vmem>>
      %dma_wait3A_282 = arith.constant 0 : i32
      %dma_wait3A_283 = tpu.memref_slice %arg2[%select_n3A, %add3A_256, %multiple_of3A_275, %dma_wait3A_282] : memref<2x64x512x512xf32, #tpu.memory_space<hbm>> -> memref<1x1x32x512xf32, #tpu.memory_space<hbm>>
      %dma_wait3A_284 = tpu.memref_squeeze %dma_wait3A_283 : memref<1x1x32x512xf32, #tpu.memory_space<hbm>> -> memref<32x512xf32, #tpu.memory_space<hbm>>
      %dma_wait3A_285 = arith.constant 0 : i32
      %dma_wait3A_286 = arith.constant 0 : i32
      %dma_wait3A_287 = tpu.memref_slice %arg5[%rem3A_277, %dma_wait3A_285, %dma_wait3A_286] : memref<2x32x512xf32, #tpu.memory_space<vmem>> -> memref<1x32x512xf32, #tpu.memory_space<vmem>>
      %dma_wait3A_288 = tpu.memref_squeeze %dma_wait3A_287 : memref<1x32x512xf32, #tpu.memory_space<vmem>> -> memref<32x512xf32, #tpu.memory_space<vmem>>
      %dma_wait3A_289 = arith.constant 0 : i32
      %dma_wait3A_290 = tpu.memref_slice %arg2[%select_n3A, %add3A_256, %multiple_of3A_275, %dma_wait3A_289] : memref<2x64x512x512xf32, #tpu.memory_space<hbm>> -> memref<1x1x32x512xf32, #tpu.memory_space<hbm>>
      %dma_wait3A_291 = tpu.memref_squeeze %dma_wait3A_290 : memref<1x1x32x512xf32, #tpu.memory_space<hbm>> -> memref<32x512xf32, #tpu.memory_space<hbm>>
      tpu.wait_dma2 semaphore(%arg8 : memref<!tpu.dma_semaphore, #tpu.memory_space<semaphore_mem>>) src(%dma_wait3A_291 : memref<32x512xf32, #tpu.memory_space<hbm>>) dst(%dma_wait3A_288 : memref<32x512xf32, #tpu.memory_space<vmem>>)
      %jit3A_292 = arith.constant 16 : i32
      %div3A_293 = arith.divsi %scan3A_226, %jit3A_292 : i32
      %sign3A_294 = arith.constant 0 : i32
      %sign3A_295 = arith.cmpi sgt, %scan3A_226, %sign3A_294 : i32
      %sign3A_296 = arith.extui %sign3A_295 : i1 to i32
      %sign3A_297 = arith.constant 0 : i32
      %sign3A_298 = arith.cmpi slt, %scan3A_226, %sign3A_297 : i32
      %sign3A_299 = arith.extui %sign3A_298 : i1 to i32
      %sign3A_300 = arith.subi %sign3A_296, %sign3A_299 : i32
      %sign3A_301 = arith.constant 0 : i32
      %sign3A_302 = arith.cmpi sgt, %jit3A_292, %sign3A_301 : i32
      %sign3A_303 = arith.extui %sign3A_302 : i1 to i32
      %sign3A_304 = arith.constant 0 : i32
      %sign3A_305 = arith.cmpi slt, %jit3A_292, %sign3A_304 : i32
      %sign3A_306 = arith.extui %sign3A_305 : i1 to i32
      %sign3A_307 = arith.subi %sign3A_303, %sign3A_306 : i32
      %ne3A_308 = arith.cmpi ne, %sign3A_300, %sign3A_307 : i32
      %rem3A_309 = arith.remsi %scan3A_226, %jit3A_292 : i32
      %ne3A_310 = arith.constant 0 : i32
      %ne3A_311 = arith.cmpi ne, %rem3A_309, %ne3A_310 : i32
      %and3A_312 = arith.andi %ne3A_308, %ne3A_311 : i1
      %sub3A_313 = arith.constant 1 : i32
      %sub3A_314 = arith.subi %div3A_293, %sub3A_313 : i32
      %select_n3A_315 = arith.select %and3A_312, %sub3A_314, %div3A_293 : i32
      %add3A_316 = arith.addi %mul3A_32, %select_n3A_315 : i32
      %jit3A_317 = arith.constant 16 : i32
      %eq3A_318 = arith.constant 0 : i32
      %eq3A_319 = arith.cmpi eq, %jit3A_317, %eq3A_318 : i32
      %jit3A_320 = arith.constant 1 : i32
      %select_n3A_321 = arith.select %eq3A_319, %jit3A_320, %jit3A_317 : i32
      %rem3A_322 = arith.remsi %scan3A_226, %select_n3A_321 : i32
      %ne3A_323 = arith.constant 0 : i32
      %ne3A_324 = arith.cmpi ne, %rem3A_322, %ne3A_323 : i32
      %lt3A_325 = arith.constant 0 : i32
      %lt3A_326 = arith.cmpi slt, %rem3A_322, %lt3A_325 : i32
      %lt3A_327 = arith.constant 0 : i32
      %lt3A_328 = arith.cmpi slt, %select_n3A_321, %lt3A_327 : i32
      %ne3A_329 = arith.xori %lt3A_326, %lt3A_328 : i1
      %and3A_330 = arith.andi %ne3A_329, %ne3A_324 : i1
      %add3A_331 = arith.addi %rem3A_322, %select_n3A_321 : i32
      %select_n3A_332 = arith.select %and3A_330, %add3A_331, %rem3A_322 : i32
      %mul3A_333 = arith.constant 32 : i32
      %mul3A_334 = arith.muli %select_n3A_332, %mul3A_333 : i32
      %multiple_of3A_335 = tpu.assume_multiple %mul3A_334, 32 : i32
      %rem3A_336 = arith.constant 2 : i32
      %rem3A_337 = arith.remsi %scan3A_226, %rem3A_336 : i32
      %dma_start3A_338 = arith.constant 0 : i32
      %dma_start3A_339 = arith.constant 0 : i32
      %dma_start3A_340 = tpu.memref_slice %arg5[%rem3A_337, %dma_start3A_338, %dma_start3A_339] : memref<2x32x512xf32, #tpu.memory_space<vmem>> -> memref<1x32x512xf32, #tpu.memory_space<vmem>>
      %dma_start3A_341 = tpu.memref_squeeze %dma_start3A_340 : memref<1x32x512xf32, #tpu.memory_space<vmem>> -> memref<32x512xf32, #tpu.memory_space<vmem>>
      %dma_start3A_342 = arith.constant 0 : i32
      %dma_start3A_343 = tpu.memref_slice %arg4[%select_n3A, %add3A_316, %multiple_of3A_335, %dma_start3A_342] : memref<2x80x512x512xf32, #tpu.memory_space<hbm>> -> memref<1x1x32x512xf32, #tpu.memory_space<hbm>>
      %dma_start3A_344 = tpu.memref_squeeze %dma_start3A_343 : memref<1x1x32x512xf32, #tpu.memory_space<hbm>> -> memref<32x512xf32, #tpu.memory_space<hbm>>
      %dma_start3A_345 = arith.constant 0 : i32
      %dma_start3A_346 = tpu.memref_slice %arg4[%select_n3A, %add3A_316, %multiple_of3A_335, %dma_start3A_345] : memref<2x80x512x512xf32, #tpu.memory_space<hbm>> -> memref<1x1x32x512xf32, #tpu.memory_space<hbm>>
      %dma_start3A_347 = tpu.memref_squeeze %dma_start3A_346 : memref<1x1x32x512xf32, #tpu.memory_space<hbm>> -> memref<32x512xf32, #tpu.memory_space<hbm>>
      %dma_start3A_348 = arith.constant 0 : i32
      %dma_start3A_349 = arith.constant 0 : i32
      %dma_start3A_350 = tpu.memref_slice %arg5[%rem3A_337, %dma_start3A_348, %dma_start3A_349] : memref<2x32x512xf32, #tpu.memory_space<vmem>> -> memref<1x32x512xf32, #tpu.memory_space<vmem>>
      %dma_start3A_351 = tpu.memref_squeeze %dma_start3A_350 : memref<1x32x512xf32, #tpu.memory_space<vmem>> -> memref<32x512xf32, #tpu.memory_space<vmem>>
      tpu.enqueue_dma source(%dma_start3A_351 : memref<32x512xf32, #tpu.memory_space<vmem>>) target(%dma_start3A_347 : memref<32x512xf32, #tpu.memory_space<hbm>>) target_semaphore(%arg9 : memref<!tpu.dma_semaphore, #tpu.memory_space<semaphore_mem>>)
      %rem3A_352 = arith.constant 4 : i32
      %rem3A_353 = arith.remsi %scan3A_226, %rem3A_352 : i32
      %eq3A_354 = arith.constant 3 : i32
      %eq3A_355 = arith.cmpi eq, %rem3A_353, %eq3A_354 : i32
      %convert_element_type3A_356 = arith.extui %eq3A_355 : i1 to i32
      %cond3A_357 = arith.constant 0 : i32
      %cond3A_358 = arith.cmpi ne, %convert_element_type3A_356, %cond3A_357 : i32
      scf.if %cond3A_358 {
        %jit3A_359 = arith.constant 4 : i32
        %div3A_360 = arith.divsi %scan3A_226, %jit3A_359 : i32
        %sign3A_361 = arith.constant 0 : i32
        %sign3A_362 = arith.cmpi sgt, %scan3A_226, %sign3A_361 : i32
        %sign3A_363 = arith.extui %sign3A_362 : i1 to i32
        %sign3A_364 = arith.constant 0 : i32
        %sign3A_365 = arith.cmpi slt, %scan3A_226, %sign3A_364 : i32
        %sign3A_366 = arith.extui %sign3A_365 : i1 to i32
        %sign3A_367 = arith.subi %sign3A_363, %sign3A_366 : i32
        %sign3A_368 = arith.constant 0 : i32
        %sign3A_369 = arith.cmpi sgt, %jit3A_359, %sign3A_368 : i32
        %sign3A_370 = arith.extui %sign3A_369 : i1 to i32
        %sign3A_371 = arith.constant 0 : i32
        %sign3A_372 = arith.cmpi slt, %jit3A_359, %sign3A_371 : i32
        %sign3A_373 = arith.extui %sign3A_372 : i1 to i32
        %sign3A_374 = arith.subi %sign3A_370, %sign3A_373 : i32
        %ne3A_375 = arith.cmpi ne, %sign3A_367, %sign3A_374 : i32
        %rem3A_376 = arith.remsi %scan3A_226, %jit3A_359 : i32
        %ne3A_377 = arith.constant 0 : i32
        %ne3A_378 = arith.cmpi ne, %rem3A_376, %ne3A_377 : i32
        %and3A_379 = arith.andi %ne3A_375, %ne3A_378 : i1
        %sub3A_380 = arith.constant 1 : i32
        %sub3A_381 = arith.subi %div3A_360, %sub3A_380 : i32
        %select_n3A_382 = arith.select %and3A_379, %sub3A_381, %div3A_360 : i32
        %ge3A = arith.constant 2 : i32
        %ge3A_383 = arith.cmpi sge, %select_n3A_382, %ge3A : i32
        %convert_element_type3A_384 = arith.extui %ge3A_383 : i1 to i32
        %cond3A_385 = arith.constant 0 : i32
        %cond3A_386 = arith.cmpi ne, %convert_element_type3A_384, %cond3A_385 : i32
        scf.if %cond3A_386 {
          %sub3A_440 = arith.constant 2 : i32
          %sub3A_441 = arith.subi %select_n3A_382, %sub3A_440 : i32
          %rem3A_442 = arith.constant 2 : i32
          %rem3A_443 = arith.remsi %sub3A_441, %rem3A_442 : i32
          %mul3A_444 = arith.constant 16 : i32
          %mul3A_445 = arith.muli %mul3A_444, %sub3A_441 : i32
          %add3A_446 = arith.addi %mul3A_76, %mul3A_445 : i32
          %multiple_of3A_447 = tpu.assume_multiple %add3A_446, 16 : i32
          %dma_wait3A_448 = arith.constant 0 : i32
          %dma_wait3A_449 = arith.constant 0 : i32
          %dma_wait3A_450 = arith.constant 0 : i32
          %dma_wait3A_451 = tpu.memref_slice %arg7[%rem3A_443, %dma_wait3A_449, %dma_wait3A_450] : memref<2x16x512xf32, #tpu.memory_space<vmem>> -> memref<1x16x512xf32, #tpu.memory_space<vmem>>
          %dma_wait3A_452 = tpu.memref_squeeze %dma_wait3A_451 : memref<1x16x512xf32, #tpu.memory_space<vmem>> -> memref<16x512xf32, #tpu.memory_space<vmem>>
          %dma_wait3A_453 = arith.constant 0 : i32
          %dma_wait3A_454 = tpu.memref_slice %arg4[%dma_wait3A_448, %add3A_58, %multiple_of3A_447, %dma_wait3A_453] : memref<2x80x512x512xf32, #tpu.memory_space<hbm>> -> memref<1x1x16x512xf32, #tpu.memory_space<hbm>>
          %dma_wait3A_455 = tpu.memref_squeeze %dma_wait3A_454 : memref<1x1x16x512xf32, #tpu.memory_space<hbm>> -> memref<16x512xf32, #tpu.memory_space<hbm>>
          %dma_wait3A_456 = arith.constant 0 : i32
          %dma_wait3A_457 = tpu.memref_slice %arg4[%dma_wait3A_448, %add3A_58, %multiple_of3A_447, %dma_wait3A_456] : memref<2x80x512x512xf32, #tpu.memory_space<hbm>> -> memref<1x1x16x512xf32, #tpu.memory_space<hbm>>
          %dma_wait3A_458 = tpu.memref_squeeze %dma_wait3A_457 : memref<1x1x16x512xf32, #tpu.memory_space<hbm>> -> memref<16x512xf32, #tpu.memory_space<hbm>>
          %dma_wait3A_459 = arith.constant 0 : i32
          %dma_wait3A_460 = arith.constant 0 : i32
          %dma_wait3A_461 = tpu.memref_slice %arg7[%rem3A_443, %dma_wait3A_459, %dma_wait3A_460] : memref<2x16x512xf32, #tpu.memory_space<vmem>> -> memref<1x16x512xf32, #tpu.memory_space<vmem>>
          %dma_wait3A_462 = tpu.memref_squeeze %dma_wait3A_461 : memref<1x16x512xf32, #tpu.memory_space<vmem>> -> memref<16x512xf32, #tpu.memory_space<vmem>>
          tpu.wait_dma2 semaphore(%arg11 : memref<!tpu.dma_semaphore, #tpu.memory_space<semaphore_mem>>) src(%dma_wait3A_462 : memref<16x512xf32, #tpu.memory_space<vmem>>) dst(%dma_wait3A_458 : memref<16x512xf32, #tpu.memory_space<hbm>>)
          %sub3A_463 = arith.constant 2 : i32
          %sub3A_464 = arith.subi %select_n3A_382, %sub3A_463 : i32
          %rem3A_465 = arith.constant 2 : i32
          %rem3A_466 = arith.remsi %sub3A_464, %rem3A_465 : i32
          %mul3A_467 = arith.constant 16 : i32
          %mul3A_468 = arith.muli %mul3A_467, %sub3A_464 : i32
          %add3A_469 = arith.addi %mul3A_76, %mul3A_468 : i32
          %multiple_of3A_470 = tpu.assume_multiple %add3A_469, 16 : i32
          %dma_wait3A_471 = arith.constant 1 : i32
          %dma_wait3A_472 = arith.constant 0 : i32
          %dma_wait3A_473 = arith.constant 0 : i32
          %dma_wait3A_474 = tpu.memref_slice %arg7[%rem3A_466, %dma_wait3A_472, %dma_wait3A_473] : memref<2x16x512xf32, #tpu.memory_space<vmem>> -> memref<1x16x512xf32, #tpu.memory_space<vmem>>
          %dma_wait3A_475 = tpu.memref_squeeze %dma_wait3A_474 : memref<1x16x512xf32, #tpu.memory_space<vmem>> -> memref<16x512xf32, #tpu.memory_space<vmem>>
          %dma_wait3A_476 = arith.constant 0 : i32
          %dma_wait3A_477 = tpu.memref_slice %arg4[%dma_wait3A_471, %add3A_58, %multiple_of3A_470, %dma_wait3A_476] : memref<2x80x512x512xf32, #tpu.memory_space<hbm>> -> memref<1x1x16x512xf32, #tpu.memory_space<hbm>>
          %dma_wait3A_478 = tpu.memref_squeeze %dma_wait3A_477 : memref<1x1x16x512xf32, #tpu.memory_space<hbm>> -> memref<16x512xf32, #tpu.memory_space<hbm>>
          %dma_wait3A_479 = arith.constant 0 : i32
          %dma_wait3A_480 = tpu.memref_slice %arg4[%dma_wait3A_471, %add3A_58, %multiple_of3A_470, %dma_wait3A_479] : memref<2x80x512x512xf32, #tpu.memory_space<hbm>> -> memref<1x1x16x512xf32, #tpu.memory_space<hbm>>
          %dma_wait3A_481 = tpu.memref_squeeze %dma_wait3A_480 : memref<1x1x16x512xf32, #tpu.memory_space<hbm>> -> memref<16x512xf32, #tpu.memory_space<hbm>>
          %dma_wait3A_482 = arith.constant 0 : i32
          %dma_wait3A_483 = arith.constant 0 : i32
          %dma_wait3A_484 = tpu.memref_slice %arg7[%rem3A_466, %dma_wait3A_482, %dma_wait3A_483] : memref<2x16x512xf32, #tpu.memory_space<vmem>> -> memref<1x16x512xf32, #tpu.memory_space<vmem>>
          %dma_wait3A_485 = tpu.memref_squeeze %dma_wait3A_484 : memref<1x16x512xf32, #tpu.memory_space<vmem>> -> memref<16x512xf32, #tpu.memory_space<vmem>>
          tpu.wait_dma2 semaphore(%arg11 : memref<!tpu.dma_semaphore, #tpu.memory_space<semaphore_mem>>) src(%dma_wait3A_485 : memref<16x512xf32, #tpu.memory_space<vmem>>) dst(%dma_wait3A_481 : memref<16x512xf32, #tpu.memory_space<hbm>>)
        } else {
        }
        %mul3A_387 = arith.constant 16 : i32
        %mul3A_388 = arith.muli %mul3A_387, %add3A : i32
        %add3A_389 = arith.addi %mul3A_388, %select_n3A_382 : i32
        %rem3A_390 = arith.constant 2 : i32
        %rem3A_391 = arith.remsi %select_n3A_382, %rem3A_390 : i32
        %scan3A_392 = arith.constant 0 : i32
        %scan3A_393 = arith.constant 0 : i32
        %scan3A_394 = arith.constant 16 : i32
        %scan3A_395 = arith.addi %scan3A_393, %scan3A_394 : i32
        %scan3A_396 = arith.constant 1 : i32
        scf.for %scan3A_440 = %scan3A_393 to %scan3A_395 step %scan3A_396  : i32 {
          %mul3A_441 = arith.constant 32 : i32
          %mul3A_442 = arith.muli %mul3A_441, %scan3A_440 : i32
          %sub3A_443 = arith.subi %mul3A_442, %add3A_389 : i32
          %add3A_444 = arith.constant 0 : i32
          %add3A_445 = arith.addi %sub3A_443, %add3A_444 : i32
          %abs3A = math.absi %add3A_445 : i32
          %get3A = arith.index_cast %abs3A : i32 to index
          %get3A_446 = arith.constant 0 : index
          %get3A_447 = tpu.vector_load %arg6[%get3A, %get3A_446] {strides = array<i32>} : memref<512x16xf32, #tpu.memory_space<vmem>>, vector<1x16xf32>,
          %get3A_448 = vector.shape_cast %get3A_447 : vector<1x16xf32> to vector<16xf32>
          %swap3A = arith.index_cast %rem3A_391 : i32 to index
          %swap3A_449 = arith.index_cast %scan3A_440 : i32 to index
          %swap3A_450 = arith.constant 0 : index
          %swap3A_451 = tpu.vector_load %arg7[%swap3A, %swap3A_449, %swap3A_450] {strides = array<i32>} : memref<2x16x512xf32, #tpu.memory_space<vmem>>, vector<1x1x16xf32>,
          %swap3A_452 = vector.shape_cast %swap3A_451 : vector<1x1x16xf32> to vector<16xf32>
          %swap3A_453 = vector.shape_cast %get3A_448 : vector<16xf32> to vector<1x1x16xf32>
          tpu.vector_store %arg7[%swap3A, %swap3A_449, %swap3A_450], %swap3A_453 {strides = array<i32>} : memref<2x16x512xf32, #tpu.memory_space<vmem>>, vector<1x1x16xf32>,
          %add3A_454 = arith.constant 1 : i32
          %add3A_455 = arith.addi %sub3A_443, %add3A_454 : i32
          %abs3A_456 = math.absi %add3A_455 : i32
          %get3A_457 = arith.index_cast %abs3A_456 : i32 to index
          %get3A_458 = arith.constant 0 : index
          %get3A_459 = tpu.vector_load %arg6[%get3A_457, %get3A_458] {strides = array<i32>} : memref<512x16xf32, #tpu.memory_space<vmem>>, vector<1x16xf32>,
          %get3A_460 = vector.shape_cast %get3A_459 : vector<1x16xf32> to vector<16xf32>
          %swap3A_461 = arith.index_cast %rem3A_391 : i32 to index
          %swap3A_462 = arith.index_cast %scan3A_440 : i32 to index
          %swap3A_463 = arith.constant 16 : index
          %swap3A_464 = tpu.vector_load %arg7[%swap3A_461, %swap3A_462, %swap3A_463] {strides = array<i32>} : memref<2x16x512xf32, #tpu.memory_space<vmem>>, vector<1x1x16xf32>,
          %swap3A_465 = vector.shape_cast %swap3A_464 : vector<1x1x16xf32> to vector<16xf32>
          %swap3A_466 = vector.shape_cast %get3A_460 : vector<16xf32> to vector<1x1x16xf32>
          tpu.vector_store %arg7[%swap3A_461, %swap3A_462, %swap3A_463], %swap3A_466 {strides = array<i32>} : memref<2x16x512xf32, #tpu.memory_space<vmem>>, vector<1x1x16xf32>,
          %add3A_467 = arith.constant 2 : i32
          %add3A_468 = arith.addi %sub3A_443, %add3A_467 : i32
          %abs3A_469 = math.absi %add3A_468 : i32
          %get3A_470 = arith.index_cast %abs3A_469 : i32 to index
          %get3A_471 = arith.constant 0 : index
          %get3A_472 = tpu.vector_load %arg6[%get3A_470, %get3A_471] {strides = array<i32>} : memref<512x16xf32, #tpu.memory_space<vmem>>, vector<1x16xf32>,
          %get3A_473 = vector.shape_cast %get3A_472 : vector<1x16xf32> to vector<16xf32>
          %swap3A_474 = arith.index_cast %rem3A_391 : i32 to index
          %swap3A_475 = arith.index_cast %scan3A_440 : i32 to index
          %swap3A_476 = arith.constant 32 : index
          %swap3A_477 = tpu.vector_load %arg7[%swap3A_474, %swap3A_475, %swap3A_476] {strides = array<i32>} : memref<2x16x512xf32, #tpu.memory_space<vmem>>, vector<1x1x16xf32>,
          %swap3A_478 = vector.shape_cast %swap3A_477 : vector<1x1x16xf32> to vector<16xf32>
          %swap3A_479 = vector.shape_cast %get3A_473 : vector<16xf32> to vector<1x1x16xf32>
          tpu.vector_store %arg7[%swap3A_474, %swap3A_475, %swap3A_476], %swap3A_479 {strides = array<i32>} : memref<2x16x512xf32, #tpu.memory_space<vmem>>, vector<1x1x16xf32>,
          %add3A_480 = arith.constant 3 : i32
          %add3A_481 = arith.addi %sub3A_443, %add3A_480 : i32
          %abs3A_482 = math.absi %add3A_481 : i32
          %get3A_483 = arith.index_cast %abs3A_482 : i32 to index
          %get3A_484 = arith.constant 0 : index
          %get3A_485 = tpu.vector_load %arg6[%get3A_483, %get3A_484] {strides = array<i32>} : memref<512x16xf32, #tpu.memory_space<vmem>>, vector<1x16xf32>,
          %get3A_486 = vector.shape_cast %get3A_485 : vector<1x16xf32> to vector<16xf32>
          %swap3A_487 = arith.index_cast %rem3A_391 : i32 to index
          %swap3A_488 = arith.index_cast %scan3A_440 : i32 to index
          %swap3A_489 = arith.constant 48 : index
          %swap3A_490 = tpu.vector_load %arg7[%swap3A_487, %swap3A_488, %swap3A_489] {strides = array<i32>} : memref<2x16x512xf32, #tpu.memory_space<vmem>>, vector<1x1x16xf32>,
          %swap3A_491 = vector.shape_cast %swap3A_490 : vector<1x1x16xf32> to vector<16xf32>
          %swap3A_492 = vector.shape_cast %get3A_486 : vector<16xf32> to vector<1x1x16xf32>
          tpu.vector_store %arg7[%swap3A_487, %swap3A_488, %swap3A_489], %swap3A_492 {strides = array<i32>} : memref<2x16x512xf32, #tpu.memory_space<vmem>>, vector<1x1x16xf32>,
          %add3A_493 = arith.constant 4 : i32
          %add3A_494 = arith.addi %sub3A_443, %add3A_493 : i32
          %abs3A_495 = math.absi %add3A_494 : i32
          %get3A_496 = arith.index_cast %abs3A_495 : i32 to index
          %get3A_497 = arith.constant 0 : index
          %get3A_498 = tpu.vector_load %arg6[%get3A_496, %get3A_497] {strides = array<i32>} : memref<512x16xf32, #tpu.memory_space<vmem>>, vector<1x16xf32>,
          %get3A_499 = vector.shape_cast %get3A_498 : vector<1x16xf32> to vector<16xf32>
          %swap3A_500 = arith.index_cast %rem3A_391 : i32 to index
          %swap3A_501 = arith.index_cast %scan3A_440 : i32 to index
          %swap3A_502 = arith.constant 64 : index
          %swap3A_503 = tpu.vector_load %arg7[%swap3A_500, %swap3A_501, %swap3A_502] {strides = array<i32>} : memref<2x16x512xf32, #tpu.memory_space<vmem>>, vector<1x1x16xf32>,
          %swap3A_504 = vector.shape_cast %swap3A_503 : vector<1x1x16xf32> to vector<16xf32>
          %swap3A_505 = vector.shape_cast %get3A_499 : vector<16xf32> to vector<1x1x16xf32>
          tpu.vector_store %arg7[%swap3A_500, %swap3A_501, %swap3A_502], %swap3A_505 {strides = array<i32>} : memref<2x16x512xf32, #tpu.memory_space<vmem>>, vector<1x1x16xf32>,
          %add3A_506 = arith.constant 5 : i32
          %add3A_507 = arith.addi %sub3A_443, %add3A_506 : i32
          %abs3A_508 = math.absi %add3A_507 : i32
          %get3A_509 = arith.index_cast %abs3A_508 : i32 to index
          %get3A_510 = arith.constant 0 : index
          %get3A_511 = tpu.vector_load %arg6[%get3A_509, %get3A_510] {strides = array<i32>} : memref<512x16xf32, #tpu.memory_space<vmem>>, vector<1x16xf32>,
          %get3A_512 = vector.shape_cast %get3A_511 : vector<1x16xf32> to vector<16xf32>
          %swap3A_513 = arith.index_cast %rem3A_391 : i32 to index
          %swap3A_514 = arith.index_cast %scan3A_440 : i32 to index
          %swap3A_515 = arith.constant 80 : index
          %swap3A_516 = tpu.vector_load %arg7[%swap3A_513, %swap3A_514, %swap3A_515] {strides = array<i32>} : memref<2x16x512xf32, #tpu.memory_space<vmem>>, vector<1x1x16xf32>,
          %swap3A_517 = vector.shape_cast %swap3A_516 : vector<1x1x16xf32> to vector<16xf32>
          %swap3A_518 = vector.shape_cast %get3A_512 : vector<16xf32> to vector<1x1x16xf32>
          tpu.vector_store %arg7[%swap3A_513, %swap3A_514, %swap3A_515], %swap3A_518 {strides = array<i32>} : memref<2x16x512xf32, #tpu.memory_space<vmem>>, vector<1x1x16xf32>,
          %add3A_519 = arith.constant 6 : i32
          %add3A_520 = arith.addi %sub3A_443, %add3A_519 : i32
          %abs3A_521 = math.absi %add3A_520 : i32
          %get3A_522 = arith.index_cast %abs3A_521 : i32 to index
          %get3A_523 = arith.constant 0 : index
          %get3A_524 = tpu.vector_load %arg6[%get3A_522, %get3A_523] {strides = array<i32>} : memref<512x16xf32, #tpu.memory_space<vmem>>, vector<1x16xf32>,
          %get3A_525 = vector.shape_cast %get3A_524 : vector<1x16xf32> to vector<16xf32>
          %swap3A_526 = arith.index_cast %rem3A_391 : i32 to index
          %swap3A_527 = arith.index_cast %scan3A_440 : i32 to index
          %swap3A_528 = arith.constant 96 : index
          %swap3A_529 = tpu.vector_load %arg7[%swap3A_526, %swap3A_527, %swap3A_528] {strides = array<i32>} : memref<2x16x512xf32, #tpu.memory_space<vmem>>, vector<1x1x16xf32>,
          %swap3A_530 = vector.shape_cast %swap3A_529 : vector<1x1x16xf32> to vector<16xf32>
          %swap3A_531 = vector.shape_cast %get3A_525 : vector<16xf32> to vector<1x1x16xf32>
          tpu.vector_store %arg7[%swap3A_526, %swap3A_527, %swap3A_528], %swap3A_531 {strides = array<i32>} : memref<2x16x512xf32, #tpu.memory_space<vmem>>, vector<1x1x16xf32>,
          %add3A_532 = arith.constant 7 : i32
          %add3A_533 = arith.addi %sub3A_443, %add3A_532 : i32
          %abs3A_534 = math.absi %add3A_533 : i32
          %get3A_535 = arith.index_cast %abs3A_534 : i32 to index
          %get3A_536 = arith.constant 0 : index
          %get3A_537 = tpu.vector_load %arg6[%get3A_535, %get3A_536] {strides = array<i32>} : memref<512x16xf32, #tpu.memory_space<vmem>>, vector<1x16xf32>,
          %get3A_538 = vector.shape_cast %get3A_537 : vector<1x16xf32> to vector<16xf32>
          %swap3A_539 = arith.index_cast %rem3A_391 : i32 to index
          %swap3A_540 = arith.index_cast %scan3A_440 : i32 to index
          %swap3A_541 = arith.constant 112 : index
          %swap3A_542 = tpu.vector_load %arg7[%swap3A_539, %swap3A_540, %swap3A_541] {strides = array<i32>} : memref<2x16x512xf32, #tpu.memory_space<vmem>>, vector<1x1x16xf32>,
          %swap3A_543 = vector.shape_cast %swap3A_542 : vector<1x1x16xf32> to vector<16xf32>
          %swap3A_544 = vector.shape_cast %get3A_538 : vector<16xf32> to vector<1x1x16xf32>
          tpu.vector_store %arg7[%swap3A_539, %swap3A_540, %swap3A_541], %swap3A_544 {strides = array<i32>} : memref<2x16x512xf32, #tpu.memory_space<vmem>>, vector<1x1x16xf32>,
          %add3A_545 = arith.constant 8 : i32
          %add3A_546 = arith.addi %sub3A_443, %add3A_545 : i32
          %abs3A_547 = math.absi %add3A_546 : i32
          %get3A_548 = arith.index_cast %abs3A_547 : i32 to index
          %get3A_549 = arith.constant 0 : index
          %get3A_550 = tpu.vector_load %arg6[%get3A_548, %get3A_549] {strides = array<i32>} : memref<512x16xf32, #tpu.memory_space<vmem>>, vector<1x16xf32>,
          %get3A_551 = vector.shape_cast %get3A_550 : vector<1x16xf32> to vector<16xf32>
          %swap3A_552 = arith.index_cast %rem3A_391 : i32 to index
          %swap3A_553 = arith.index_cast %scan3A_440 : i32 to index
          %swap3A_554 = arith.constant 128 : index
          %swap3A_555 = tpu.vector_load %arg7[%swap3A_552, %swap3A_553, %swap3A_554] {strides = array<i32>} : memref<2x16x512xf32, #tpu.memory_space<vmem>>, vector<1x1x16xf32>,
          %swap3A_556 = vector.shape_cast %swap3A_555 : vector<1x1x16xf32> to vector<16xf32>
          %swap3A_557 = vector.shape_cast %get3A_551 : vector<16xf32> to vector<1x1x16xf32>
          tpu.vector_store %arg7[%swap3A_552, %swap3A_553, %swap3A_554], %swap3A_557 {strides = array<i32>} : memref<2x16x512xf32, #tpu.memory_space<vmem>>, vector<1x1x16xf32>,
          %add3A_558 = arith.constant 9 : i32
          %add3A_559 = arith.addi %sub3A_443, %add3A_558 : i32
          %abs3A_560 = math.absi %add3A_559 : i32
          %get3A_561 = arith.index_cast %abs3A_560 : i32 to index
          %get3A_562 = arith.constant 0 : index
          %get3A_563 = tpu.vector_load %arg6[%get3A_561, %get3A_562] {strides = array<i32>} : memref<512x16xf32, #tpu.memory_space<vmem>>, vector<1x16xf32>,
          %get3A_564 = vector.shape_cast %get3A_563 : vector<1x16xf32> to vector<16xf32>
          %swap3A_565 = arith.index_cast %rem3A_391 : i32 to index
          %swap3A_566 = arith.index_cast %scan3A_440 : i32 to index
          %swap3A_567 = arith.constant 144 : index
          %swap3A_568 = tpu.vector_load %arg7[%swap3A_565, %swap3A_566, %swap3A_567] {strides = array<i32>} : memref<2x16x512xf32, #tpu.memory_space<vmem>>, vector<1x1x16xf32>,
          %swap3A_569 = vector.shape_cast %swap3A_568 : vector<1x1x16xf32> to vector<16xf32>
          %swap3A_570 = vector.shape_cast %get3A_564 : vector<16xf32> to vector<1x1x16xf32>
          tpu.vector_store %arg7[%swap3A_565, %swap3A_566, %swap3A_567], %swap3A_570 {strides = array<i32>} : memref<2x16x512xf32, #tpu.memory_space<vmem>>, vector<1x1x16xf32>,
          %add3A_571 = arith.constant 10 : i32
          %add3A_572 = arith.addi %sub3A_443, %add3A_571 : i32
          %abs3A_573 = math.absi %add3A_572 : i32
          %get3A_574 = arith.index_cast %abs3A_573 : i32 to index
          %get3A_575 = arith.constant 0 : index
          %get3A_576 = tpu.vector_load %arg6[%get3A_574, %get3A_575] {strides = array<i32>} : memref<512x16xf32, #tpu.memory_space<vmem>>, vector<1x16xf32>,
          %get3A_577 = vector.shape_cast %get3A_576 : vector<1x16xf32> to vector<16xf32>
          %swap3A_578 = arith.index_cast %rem3A_391 : i32 to index
          %swap3A_579 = arith.index_cast %scan3A_440 : i32 to index
          %swap3A_580 = arith.constant 160 : index
          %swap3A_581 = tpu.vector_load %arg7[%swap3A_578, %swap3A_579, %swap3A_580] {strides = array<i32>} : memref<2x16x512xf32, #tpu.memory_space<vmem>>, vector<1x1x16xf32>,
          %swap3A_582 = vector.shape_cast %swap3A_581 : vector<1x1x16xf32> to vector<16xf32>
          %swap3A_583 = vector.shape_cast %get3A_577 : vector<16xf32> to vector<1x1x16xf32>
          tpu.vector_store %arg7[%swap3A_578, %swap3A_579, %swap3A_580], %swap3A_583 {strides = array<i32>} : memref<2x16x512xf32, #tpu.memory_space<vmem>>, vector<1x1x16xf32>,
          %add3A_584 = arith.constant 11 : i32
          %add3A_585 = arith.addi %sub3A_443, %add3A_584 : i32
          %abs3A_586 = math.absi %add3A_585 : i32
          %get3A_587 = arith.index_cast %abs3A_586 : i32 to index
          %get3A_588 = arith.constant 0 : index
          %get3A_589 = tpu.vector_load %arg6[%get3A_587, %get3A_588] {strides = array<i32>} : memref<512x16xf32, #tpu.memory_space<vmem>>, vector<1x16xf32>,
          %get3A_590 = vector.shape_cast %get3A_589 : vector<1x16xf32> to vector<16xf32>
          %swap3A_591 = arith.index_cast %rem3A_391 : i32 to index
          %swap3A_592 = arith.index_cast %scan3A_440 : i32 to index
          %swap3A_593 = arith.constant 176 : index
          %swap3A_594 = tpu.vector_load %arg7[%swap3A_591, %swap3A_592, %swap3A_593] {strides = array<i32>} : memref<2x16x512xf32, #tpu.memory_space<vmem>>, vector<1x1x16xf32>,
          %swap3A_595 = vector.shape_cast %swap3A_594 : vector<1x1x16xf32> to vector<16xf32>
          %swap3A_596 = vector.shape_cast %get3A_590 : vector<16xf32> to vector<1x1x16xf32>
          tpu.vector_store %arg7[%swap3A_591, %swap3A_592, %swap3A_593], %swap3A_596 {strides = array<i32>} : memref<2x16x512xf32, #tpu.memory_space<vmem>>, vector<1x1x16xf32>,
          %add3A_597 = arith.constant 12 : i32
          %add3A_598 = arith.addi %sub3A_443, %add3A_597 : i32
          %abs3A_599 = math.absi %add3A_598 : i32
          %get3A_600 = arith.index_cast %abs3A_599 : i32 to index
          %get3A_601 = arith.constant 0 : index
          %get3A_602 = tpu.vector_load %arg6[%get3A_600, %get3A_601] {strides = array<i32>} : memref<512x16xf32, #tpu.memory_space<vmem>>, vector<1x16xf32>,
          %get3A_603 = vector.shape_cast %get3A_602 : vector<1x16xf32> to vector<16xf32>
          %swap3A_604 = arith.index_cast %rem3A_391 : i32 to index
          %swap3A_605 = arith.index_cast %scan3A_440 : i32 to index
          %swap3A_606 = arith.constant 192 : index
          %swap3A_607 = tpu.vector_load %arg7[%swap3A_604, %swap3A_605, %swap3A_606] {strides = array<i32>} : memref<2x16x512xf32, #tpu.memory_space<vmem>>, vector<1x1x16xf32>,
          %swap3A_608 = vector.shape_cast %swap3A_607 : vector<1x1x16xf32> to vector<16xf32>
          %swap3A_609 = vector.shape_cast %get3A_603 : vector<16xf32> to vector<1x1x16xf32>
          tpu.vector_store %arg7[%swap3A_604, %swap3A_605, %swap3A_606], %swap3A_609 {strides = array<i32>} : memref<2x16x512xf32, #tpu.memory_space<vmem>>, vector<1x1x16xf32>,
          %add3A_610 = arith.constant 13 : i32
          %add3A_611 = arith.addi %sub3A_443, %add3A_610 : i32
          %abs3A_612 = math.absi %add3A_611 : i32
          %get3A_613 = arith.index_cast %abs3A_612 : i32 to index
          %get3A_614 = arith.constant 0 : index
          %get3A_615 = tpu.vector_load %arg6[%get3A_613, %get3A_614] {strides = array<i32>} : memref<512x16xf32, #tpu.memory_space<vmem>>, vector<1x16xf32>,
          %get3A_616 = vector.shape_cast %get3A_615 : vector<1x16xf32> to vector<16xf32>
          %swap3A_617 = arith.index_cast %rem3A_391 : i32 to index
          %swap3A_618 = arith.index_cast %scan3A_440 : i32 to index
          %swap3A_619 = arith.constant 208 : index
          %swap3A_620 = tpu.vector_load %arg7[%swap3A_617, %swap3A_618, %swap3A_619] {strides = array<i32>} : memref<2x16x512xf32, #tpu.memory_space<vmem>>, vector<1x1x16xf32>,
          %swap3A_621 = vector.shape_cast %swap3A_620 : vector<1x1x16xf32> to vector<16xf32>
          %swap3A_622 = vector.shape_cast %get3A_616 : vector<16xf32> to vector<1x1x16xf32>
          tpu.vector_store %arg7[%swap3A_617, %swap3A_618, %swap3A_619], %swap3A_622 {strides = array<i32>} : memref<2x16x512xf32, #tpu.memory_space<vmem>>, vector<1x1x16xf32>,
          %add3A_623 = arith.constant 14 : i32
          %add3A_624 = arith.addi %sub3A_443, %add3A_623 : i32
          %abs3A_625 = math.absi %add3A_624 : i32
          %get3A_626 = arith.index_cast %abs3A_625 : i32 to index
          %get3A_627 = arith.constant 0 : index
          %get3A_628 = tpu.vector_load %arg6[%get3A_626, %get3A_627] {strides = array<i32>} : memref<512x16xf32, #tpu.memory_space<vmem>>, vector<1x16xf32>,
          %get3A_629 = vector.shape_cast %get3A_628 : vector<1x16xf32> to vector<16xf32>
          %swap3A_630 = arith.index_cast %rem3A_391 : i32 to index
          %swap3A_631 = arith.index_cast %scan3A_440 : i32 to index
          %swap3A_632 = arith.constant 224 : index
          %swap3A_633 = tpu.vector_load %arg7[%swap3A_630, %swap3A_631, %swap3A_632] {strides = array<i32>} : memref<2x16x512xf32, #tpu.memory_space<vmem>>, vector<1x1x16xf32>,
          %swap3A_634 = vector.shape_cast %swap3A_633 : vector<1x1x16xf32> to vector<16xf32>
          %swap3A_635 = vector.shape_cast %get3A_629 : vector<16xf32> to vector<1x1x16xf32>
          tpu.vector_store %arg7[%swap3A_630, %swap3A_631, %swap3A_632], %swap3A_635 {strides = array<i32>} : memref<2x16x512xf32, #tpu.memory_space<vmem>>, vector<1x1x16xf32>,
          %add3A_636 = arith.constant 15 : i32
          %add3A_637 = arith.addi %sub3A_443, %add3A_636 : i32
          %abs3A_638 = math.absi %add3A_637 : i32
          %get3A_639 = arith.index_cast %abs3A_638 : i32 to index
          %get3A_640 = arith.constant 0 : index
          %get3A_641 = tpu.vector_load %arg6[%get3A_639, %get3A_640] {strides = array<i32>} : memref<512x16xf32, #tpu.memory_space<vmem>>, vector<1x16xf32>,
          %get3A_642 = vector.shape_cast %get3A_641 : vector<1x16xf32> to vector<16xf32>
          %swap3A_643 = arith.index_cast %rem3A_391 : i32 to index
          %swap3A_644 = arith.index_cast %scan3A_440 : i32 to index
          %swap3A_645 = arith.constant 240 : index
          %swap3A_646 = tpu.vector_load %arg7[%swap3A_643, %swap3A_644, %swap3A_645] {strides = array<i32>} : memref<2x16x512xf32, #tpu.memory_space<vmem>>, vector<1x1x16xf32>,
          %swap3A_647 = vector.shape_cast %swap3A_646 : vector<1x1x16xf32> to vector<16xf32>
          %swap3A_648 = vector.shape_cast %get3A_642 : vector<16xf32> to vector<1x1x16xf32>
          tpu.vector_store %arg7[%swap3A_643, %swap3A_644, %swap3A_645], %swap3A_648 {strides = array<i32>} : memref<2x16x512xf32, #tpu.memory_space<vmem>>, vector<1x1x16xf32>,
          %add3A_649 = arith.constant 16 : i32
          %add3A_650 = arith.addi %sub3A_443, %add3A_649 : i32
          %abs3A_651 = math.absi %add3A_650 : i32
          %get3A_652 = arith.index_cast %abs3A_651 : i32 to index
          %get3A_653 = arith.constant 0 : index
          %get3A_654 = tpu.vector_load %arg6[%get3A_652, %get3A_653] {strides = array<i32>} : memref<512x16xf32, #tpu.memory_space<vmem>>, vector<1x16xf32>,
          %get3A_655 = vector.shape_cast %get3A_654 : vector<1x16xf32> to vector<16xf32>
          %swap3A_656 = arith.index_cast %rem3A_391 : i32 to index
          %swap3A_657 = arith.index_cast %scan3A_440 : i32 to index
          %swap3A_658 = arith.constant 256 : index
          %swap3A_659 = tpu.vector_load %arg7[%swap3A_656, %swap3A_657, %swap3A_658] {strides = array<i32>} : memref<2x16x512xf32, #tpu.memory_space<vmem>>, vector<1x1x16xf32>,
          %swap3A_660 = vector.shape_cast %swap3A_659 : vector<1x1x16xf32> to vector<16xf32>
          %swap3A_661 = vector.shape_cast %get3A_655 : vector<16xf32> to vector<1x1x16xf32>
          tpu.vector_store %arg7[%swap3A_656, %swap3A_657, %swap3A_658], %swap3A_661 {strides = array<i32>} : memref<2x16x512xf32, #tpu.memory_space<vmem>>, vector<1x1x16xf32>,
          %add3A_662 = arith.constant 17 : i32
          %add3A_663 = arith.addi %sub3A_443, %add3A_662 : i32
          %abs3A_664 = math.absi %add3A_663 : i32
          %get3A_665 = arith.index_cast %abs3A_664 : i32 to index
          %get3A_666 = arith.constant 0 : index
          %get3A_667 = tpu.vector_load %arg6[%get3A_665, %get3A_666] {strides = array<i32>} : memref<512x16xf32, #tpu.memory_space<vmem>>, vector<1x16xf32>,
          %get3A_668 = vector.shape_cast %get3A_667 : vector<1x16xf32> to vector<16xf32>
          %swap3A_669 = arith.index_cast %rem3A_391 : i32 to index
          %swap3A_670 = arith.index_cast %scan3A_440 : i32 to index
          %swap3A_671 = arith.constant 272 : index
          %swap3A_672 = tpu.vector_load %arg7[%swap3A_669, %swap3A_670, %swap3A_671] {strides = array<i32>} : memref<2x16x512xf32, #tpu.memory_space<vmem>>, vector<1x1x16xf32>,
          %swap3A_673 = vector.shape_cast %swap3A_672 : vector<1x1x16xf32> to vector<16xf32>
          %swap3A_674 = vector.shape_cast %get3A_668 : vector<16xf32> to vector<1x1x16xf32>
          tpu.vector_store %arg7[%swap3A_669, %swap3A_670, %swap3A_671], %swap3A_674 {strides = array<i32>} : memref<2x16x512xf32, #tpu.memory_space<vmem>>, vector<1x1x16xf32>,
          %add3A_675 = arith.constant 18 : i32
          %add3A_676 = arith.addi %sub3A_443, %add3A_675 : i32
          %abs3A_677 = math.absi %add3A_676 : i32
          %get3A_678 = arith.index_cast %abs3A_677 : i32 to index
          %get3A_679 = arith.constant 0 : index
          %get3A_680 = tpu.vector_load %arg6[%get3A_678, %get3A_679] {strides = array<i32>} : memref<512x16xf32, #tpu.memory_space<vmem>>, vector<1x16xf32>,
          %get3A_681 = vector.shape_cast %get3A_680 : vector<1x16xf32> to vector<16xf32>
          %swap3A_682 = arith.index_cast %rem3A_391 : i32 to index
          %swap3A_683 = arith.index_cast %scan3A_440 : i32 to index
          %swap3A_684 = arith.constant 288 : index
          %swap3A_685 = tpu.vector_load %arg7[%swap3A_682, %swap3A_683, %swap3A_684] {strides = array<i32>} : memref<2x16x512xf32, #tpu.memory_space<vmem>>, vector<1x1x16xf32>,
          %swap3A_686 = vector.shape_cast %swap3A_685 : vector<1x1x16xf32> to vector<16xf32>
          %swap3A_687 = vector.shape_cast %get3A_681 : vector<16xf32> to vector<1x1x16xf32>
          tpu.vector_store %arg7[%swap3A_682, %swap3A_683, %swap3A_684], %swap3A_687 {strides = array<i32>} : memref<2x16x512xf32, #tpu.memory_space<vmem>>, vector<1x1x16xf32>,
          %add3A_688 = arith.constant 19 : i32
          %add3A_689 = arith.addi %sub3A_443, %add3A_688 : i32
          %abs3A_690 = math.absi %add3A_689 : i32
          %get3A_691 = arith.index_cast %abs3A_690 : i32 to index
          %get3A_692 = arith.constant 0 : index
          %get3A_693 = tpu.vector_load %arg6[%get3A_691, %get3A_692] {strides = array<i32>} : memref<512x16xf32, #tpu.memory_space<vmem>>, vector<1x16xf32>,
          %get3A_694 = vector.shape_cast %get3A_693 : vector<1x16xf32> to vector<16xf32>
          %swap3A_695 = arith.index_cast %rem3A_391 : i32 to index
          %swap3A_696 = arith.index_cast %scan3A_440 : i32 to index
          %swap3A_697 = arith.constant 304 : index
          %swap3A_698 = tpu.vector_load %arg7[%swap3A_695, %swap3A_696, %swap3A_697] {strides = array<i32>} : memref<2x16x512xf32, #tpu.memory_space<vmem>>, vector<1x1x16xf32>,
          %swap3A_699 = vector.shape_cast %swap3A_698 : vector<1x1x16xf32> to vector<16xf32>
          %swap3A_700 = vector.shape_cast %get3A_694 : vector<16xf32> to vector<1x1x16xf32>
          tpu.vector_store %arg7[%swap3A_695, %swap3A_696, %swap3A_697], %swap3A_700 {strides = array<i32>} : memref<2x16x512xf32, #tpu.memory_space<vmem>>, vector<1x1x16xf32>,
          %add3A_701 = arith.constant 20 : i32
          %add3A_702 = arith.addi %sub3A_443, %add3A_701 : i32
          %abs3A_703 = math.absi %add3A_702 : i32
          %get3A_704 = arith.index_cast %abs3A_703 : i32 to index
          %get3A_705 = arith.constant 0 : index
          %get3A_706 = tpu.vector_load %arg6[%get3A_704, %get3A_705] {strides = array<i32>} : memref<512x16xf32, #tpu.memory_space<vmem>>, vector<1x16xf32>,
          %get3A_707 = vector.shape_cast %get3A_706 : vector<1x16xf32> to vector<16xf32>
          %swap3A_708 = arith.index_cast %rem3A_391 : i32 to index
          %swap3A_709 = arith.index_cast %scan3A_440 : i32 to index
          %swap3A_710 = arith.constant 320 : index
          %swap3A_711 = tpu.vector_load %arg7[%swap3A_708, %swap3A_709, %swap3A_710] {strides = array<i32>} : memref<2x16x512xf32, #tpu.memory_space<vmem>>, vector<1x1x16xf32>,
          %swap3A_712 = vector.shape_cast %swap3A_711 : vector<1x1x16xf32> to vector<16xf32>
          %swap3A_713 = vector.shape_cast %get3A_707 : vector<16xf32> to vector<1x1x16xf32>
          tpu.vector_store %arg7[%swap3A_708, %swap3A_709, %swap3A_710], %swap3A_713 {strides = array<i32>} : memref<2x16x512xf32, #tpu.memory_space<vmem>>, vector<1x1x16xf32>,
          %add3A_714 = arith.constant 21 : i32
          %add3A_715 = arith.addi %sub3A_443, %add3A_714 : i32
          %abs3A_716 = math.absi %add3A_715 : i32
          %get3A_717 = arith.index_cast %abs3A_716 : i32 to index
          %get3A_718 = arith.constant 0 : index
          %get3A_719 = tpu.vector_load %arg6[%get3A_717, %get3A_718] {strides = array<i32>} : memref<512x16xf32, #tpu.memory_space<vmem>>, vector<1x16xf32>,
          %get3A_720 = vector.shape_cast %get3A_719 : vector<1x16xf32> to vector<16xf32>
          %swap3A_721 = arith.index_cast %rem3A_391 : i32 to index
          %swap3A_722 = arith.index_cast %scan3A_440 : i32 to index
          %swap3A_723 = arith.constant 336 : index
          %swap3A_724 = tpu.vector_load %arg7[%swap3A_721, %swap3A_722, %swap3A_723] {strides = array<i32>} : memref<2x16x512xf32, #tpu.memory_space<vmem>>, vector<1x1x16xf32>,
          %swap3A_725 = vector.shape_cast %swap3A_724 : vector<1x1x16xf32> to vector<16xf32>
          %swap3A_726 = vector.shape_cast %get3A_720 : vector<16xf32> to vector<1x1x16xf32>
          tpu.vector_store %arg7[%swap3A_721, %swap3A_722, %swap3A_723], %swap3A_726 {strides = array<i32>} : memref<2x16x512xf32, #tpu.memory_space<vmem>>, vector<1x1x16xf32>,
          %add3A_727 = arith.constant 22 : i32
          %add3A_728 = arith.addi %sub3A_443, %add3A_727 : i32
          %abs3A_729 = math.absi %add3A_728 : i32
          %get3A_730 = arith.index_cast %abs3A_729 : i32 to index
          %get3A_731 = arith.constant 0 : index
          %get3A_732 = tpu.vector_load %arg6[%get3A_730, %get3A_731] {strides = array<i32>} : memref<512x16xf32, #tpu.memory_space<vmem>>, vector<1x16xf32>,
          %get3A_733 = vector.shape_cast %get3A_732 : vector<1x16xf32> to vector<16xf32>
          %swap3A_734 = arith.index_cast %rem3A_391 : i32 to index
          %swap3A_735 = arith.index_cast %scan3A_440 : i32 to index
          %swap3A_736 = arith.constant 352 : index
          %swap3A_737 = tpu.vector_load %arg7[%swap3A_734, %swap3A_735, %swap3A_736] {strides = array<i32>} : memref<2x16x512xf32, #tpu.memory_space<vmem>>, vector<1x1x16xf32>,
          %swap3A_738 = vector.shape_cast %swap3A_737 : vector<1x1x16xf32> to vector<16xf32>
          %swap3A_739 = vector.shape_cast %get3A_733 : vector<16xf32> to vector<1x1x16xf32>
          tpu.vector_store %arg7[%swap3A_734, %swap3A_735, %swap3A_736], %swap3A_739 {strides = array<i32>} : memref<2x16x512xf32, #tpu.memory_space<vmem>>, vector<1x1x16xf32>,
          %add3A_740 = arith.constant 23 : i32
          %add3A_741 = arith.addi %sub3A_443, %add3A_740 : i32
          %abs3A_742 = math.absi %add3A_741 : i32
          %get3A_743 = arith.index_cast %abs3A_742 : i32 to index
          %get3A_744 = arith.constant 0 : index
          %get3A_745 = tpu.vector_load %arg6[%get3A_743, %get3A_744] {strides = array<i32>} : memref<512x16xf32, #tpu.memory_space<vmem>>, vector<1x16xf32>,
          %get3A_746 = vector.shape_cast %get3A_745 : vector<1x16xf32> to vector<16xf32>
          %swap3A_747 = arith.index_cast %rem3A_391 : i32 to index
          %swap3A_748 = arith.index_cast %scan3A_440 : i32 to index
          %swap3A_749 = arith.constant 368 : index
          %swap3A_750 = tpu.vector_load %arg7[%swap3A_747, %swap3A_748, %swap3A_749] {strides = array<i32>} : memref<2x16x512xf32, #tpu.memory_space<vmem>>, vector<1x1x16xf32>,
          %swap3A_751 = vector.shape_cast %swap3A_750 : vector<1x1x16xf32> to vector<16xf32>
          %swap3A_752 = vector.shape_cast %get3A_746 : vector<16xf32> to vector<1x1x16xf32>
          tpu.vector_store %arg7[%swap3A_747, %swap3A_748, %swap3A_749], %swap3A_752 {strides = array<i32>} : memref<2x16x512xf32, #tpu.memory_space<vmem>>, vector<1x1x16xf32>,
          %add3A_753 = arith.constant 24 : i32
          %add3A_754 = arith.addi %sub3A_443, %add3A_753 : i32
          %abs3A_755 = math.absi %add3A_754 : i32
          %get3A_756 = arith.index_cast %abs3A_755 : i32 to index
          %get3A_757 = arith.constant 0 : index
          %get3A_758 = tpu.vector_load %arg6[%get3A_756, %get3A_757] {strides = array<i32>} : memref<512x16xf32, #tpu.memory_space<vmem>>, vector<1x16xf32>,
          %get3A_759 = vector.shape_cast %get3A_758 : vector<1x16xf32> to vector<16xf32>
          %swap3A_760 = arith.index_cast %rem3A_391 : i32 to index
          %swap3A_761 = arith.index_cast %scan3A_440 : i32 to index
          %swap3A_762 = arith.constant 384 : index
          %swap3A_763 = tpu.vector_load %arg7[%swap3A_760, %swap3A_761, %swap3A_762] {strides = array<i32>} : memref<2x16x512xf32, #tpu.memory_space<vmem>>, vector<1x1x16xf32>,
          %swap3A_764 = vector.shape_cast %swap3A_763 : vector<1x1x16xf32> to vector<16xf32>
          %swap3A_765 = vector.shape_cast %get3A_759 : vector<16xf32> to vector<1x1x16xf32>
          tpu.vector_store %arg7[%swap3A_760, %swap3A_761, %swap3A_762], %swap3A_765 {strides = array<i32>} : memref<2x16x512xf32, #tpu.memory_space<vmem>>, vector<1x1x16xf32>,
          %add3A_766 = arith.constant 25 : i32
          %add3A_767 = arith.addi %sub3A_443, %add3A_766 : i32
          %abs3A_768 = math.absi %add3A_767 : i32
          %get3A_769 = arith.index_cast %abs3A_768 : i32 to index
          %get3A_770 = arith.constant 0 : index
          %get3A_771 = tpu.vector_load %arg6[%get3A_769, %get3A_770] {strides = array<i32>} : memref<512x16xf32, #tpu.memory_space<vmem>>, vector<1x16xf32>,
          %get3A_772 = vector.shape_cast %get3A_771 : vector<1x16xf32> to vector<16xf32>
          %swap3A_773 = arith.index_cast %rem3A_391 : i32 to index
          %swap3A_774 = arith.index_cast %scan3A_440 : i32 to index
          %swap3A_775 = arith.constant 400 : index
          %swap3A_776 = tpu.vector_load %arg7[%swap3A_773, %swap3A_774, %swap3A_775] {strides = array<i32>} : memref<2x16x512xf32, #tpu.memory_space<vmem>>, vector<1x1x16xf32>,
          %swap3A_777 = vector.shape_cast %swap3A_776 : vector<1x1x16xf32> to vector<16xf32>
          %swap3A_778 = vector.shape_cast %get3A_772 : vector<16xf32> to vector<1x1x16xf32>
          tpu.vector_store %arg7[%swap3A_773, %swap3A_774, %swap3A_775], %swap3A_778 {strides = array<i32>} : memref<2x16x512xf32, #tpu.memory_space<vmem>>, vector<1x1x16xf32>,
          %add3A_779 = arith.constant 26 : i32
          %add3A_780 = arith.addi %sub3A_443, %add3A_779 : i32
          %abs3A_781 = math.absi %add3A_780 : i32
          %get3A_782 = arith.index_cast %abs3A_781 : i32 to index
          %get3A_783 = arith.constant 0 : index
          %get3A_784 = tpu.vector_load %arg6[%get3A_782, %get3A_783] {strides = array<i32>} : memref<512x16xf32, #tpu.memory_space<vmem>>, vector<1x16xf32>,
          %get3A_785 = vector.shape_cast %get3A_784 : vector<1x16xf32> to vector<16xf32>
          %swap3A_786 = arith.index_cast %rem3A_391 : i32 to index
          %swap3A_787 = arith.index_cast %scan3A_440 : i32 to index
          %swap3A_788 = arith.constant 416 : index
          %swap3A_789 = tpu.vector_load %arg7[%swap3A_786, %swap3A_787, %swap3A_788] {strides = array<i32>} : memref<2x16x512xf32, #tpu.memory_space<vmem>>, vector<1x1x16xf32>,
          %swap3A_790 = vector.shape_cast %swap3A_789 : vector<1x1x16xf32> to vector<16xf32>
          %swap3A_791 = vector.shape_cast %get3A_785 : vector<16xf32> to vector<1x1x16xf32>
          tpu.vector_store %arg7[%swap3A_786, %swap3A_787, %swap3A_788], %swap3A_791 {strides = array<i32>} : memref<2x16x512xf32, #tpu.memory_space<vmem>>, vector<1x1x16xf32>,
          %add3A_792 = arith.constant 27 : i32
          %add3A_793 = arith.addi %sub3A_443, %add3A_792 : i32
          %abs3A_794 = math.absi %add3A_793 : i32
          %get3A_795 = arith.index_cast %abs3A_794 : i32 to index
          %get3A_796 = arith.constant 0 : index
          %get3A_797 = tpu.vector_load %arg6[%get3A_795, %get3A_796] {strides = array<i32>} : memref<512x16xf32, #tpu.memory_space<vmem>>, vector<1x16xf32>,
          %get3A_798 = vector.shape_cast %get3A_797 : vector<1x16xf32> to vector<16xf32>
          %swap3A_799 = arith.index_cast %rem3A_391 : i32 to index
          %swap3A_800 = arith.index_cast %scan3A_440 : i32 to index
          %swap3A_801 = arith.constant 432 : index
          %swap3A_802 = tpu.vector_load %arg7[%swap3A_799, %swap3A_800, %swap3A_801] {strides = array<i32>} : memref<2x16x512xf32, #tpu.memory_space<vmem>>, vector<1x1x16xf32>,
          %swap3A_803 = vector.shape_cast %swap3A_802 : vector<1x1x16xf32> to vector<16xf32>
          %swap3A_804 = vector.shape_cast %get3A_798 : vector<16xf32> to vector<1x1x16xf32>
          tpu.vector_store %arg7[%swap3A_799, %swap3A_800, %swap3A_801], %swap3A_804 {strides = array<i32>} : memref<2x16x512xf32, #tpu.memory_space<vmem>>, vector<1x1x16xf32>,
          %add3A_805 = arith.constant 28 : i32
          %add3A_806 = arith.addi %sub3A_443, %add3A_805 : i32
          %abs3A_807 = math.absi %add3A_806 : i32
          %get3A_808 = arith.index_cast %abs3A_807 : i32 to index
          %get3A_809 = arith.constant 0 : index
          %get3A_810 = tpu.vector_load %arg6[%get3A_808, %get3A_809] {strides = array<i32>} : memref<512x16xf32, #tpu.memory_space<vmem>>, vector<1x16xf32>,
          %get3A_811 = vector.shape_cast %get3A_810 : vector<1x16xf32> to vector<16xf32>
          %swap3A_812 = arith.index_cast %rem3A_391 : i32 to index
          %swap3A_813 = arith.index_cast %scan3A_440 : i32 to index
          %swap3A_814 = arith.constant 448 : index
          %swap3A_815 = tpu.vector_load %arg7[%swap3A_812, %swap3A_813, %swap3A_814] {strides = array<i32>} : memref<2x16x512xf32, #tpu.memory_space<vmem>>, vector<1x1x16xf32>,
          %swap3A_816 = vector.shape_cast %swap3A_815 : vector<1x1x16xf32> to vector<16xf32>
          %swap3A_817 = vector.shape_cast %get3A_811 : vector<16xf32> to vector<1x1x16xf32>
          tpu.vector_store %arg7[%swap3A_812, %swap3A_813, %swap3A_814], %swap3A_817 {strides = array<i32>} : memref<2x16x512xf32, #tpu.memory_space<vmem>>, vector<1x1x16xf32>,
          %add3A_818 = arith.constant 29 : i32
          %add3A_819 = arith.addi %sub3A_443, %add3A_818 : i32
          %abs3A_820 = math.absi %add3A_819 : i32
          %get3A_821 = arith.index_cast %abs3A_820 : i32 to index
          %get3A_822 = arith.constant 0 : index
          %get3A_823 = tpu.vector_load %arg6[%get3A_821, %get3A_822] {strides = array<i32>} : memref<512x16xf32, #tpu.memory_space<vmem>>, vector<1x16xf32>,
          %get3A_824 = vector.shape_cast %get3A_823 : vector<1x16xf32> to vector<16xf32>
          %swap3A_825 = arith.index_cast %rem3A_391 : i32 to index
          %swap3A_826 = arith.index_cast %scan3A_440 : i32 to index
          %swap3A_827 = arith.constant 464 : index
          %swap3A_828 = tpu.vector_load %arg7[%swap3A_825, %swap3A_826, %swap3A_827] {strides = array<i32>} : memref<2x16x512xf32, #tpu.memory_space<vmem>>, vector<1x1x16xf32>,
          %swap3A_829 = vector.shape_cast %swap3A_828 : vector<1x1x16xf32> to vector<16xf32>
          %swap3A_830 = vector.shape_cast %get3A_824 : vector<16xf32> to vector<1x1x16xf32>
          tpu.vector_store %arg7[%swap3A_825, %swap3A_826, %swap3A_827], %swap3A_830 {strides = array<i32>} : memref<2x16x512xf32, #tpu.memory_space<vmem>>, vector<1x1x16xf32>,
          %add3A_831 = arith.constant 30 : i32
          %add3A_832 = arith.addi %sub3A_443, %add3A_831 : i32
          %abs3A_833 = math.absi %add3A_832 : i32
          %get3A_834 = arith.index_cast %abs3A_833 : i32 to index
          %get3A_835 = arith.constant 0 : index
          %get3A_836 = tpu.vector_load %arg6[%get3A_834, %get3A_835] {strides = array<i32>} : memref<512x16xf32, #tpu.memory_space<vmem>>, vector<1x16xf32>,
          %get3A_837 = vector.shape_cast %get3A_836 : vector<1x16xf32> to vector<16xf32>
          %swap3A_838 = arith.index_cast %rem3A_391 : i32 to index
          %swap3A_839 = arith.index_cast %scan3A_440 : i32 to index
          %swap3A_840 = arith.constant 480 : index
          %swap3A_841 = tpu.vector_load %arg7[%swap3A_838, %swap3A_839, %swap3A_840] {strides = array<i32>} : memref<2x16x512xf32, #tpu.memory_space<vmem>>, vector<1x1x16xf32>,
          %swap3A_842 = vector.shape_cast %swap3A_841 : vector<1x1x16xf32> to vector<16xf32>
          %swap3A_843 = vector.shape_cast %get3A_837 : vector<16xf32> to vector<1x1x16xf32>
          tpu.vector_store %arg7[%swap3A_838, %swap3A_839, %swap3A_840], %swap3A_843 {strides = array<i32>} : memref<2x16x512xf32, #tpu.memory_space<vmem>>, vector<1x1x16xf32>,
          %add3A_844 = arith.constant 31 : i32
          %add3A_845 = arith.addi %sub3A_443, %add3A_844 : i32
          %abs3A_846 = math.absi %add3A_845 : i32
          %get3A_847 = arith.index_cast %abs3A_846 : i32 to index
          %get3A_848 = arith.constant 0 : index
          %get3A_849 = tpu.vector_load %arg6[%get3A_847, %get3A_848] {strides = array<i32>} : memref<512x16xf32, #tpu.memory_space<vmem>>, vector<1x16xf32>,
          %get3A_850 = vector.shape_cast %get3A_849 : vector<1x16xf32> to vector<16xf32>
          %swap3A_851 = arith.index_cast %rem3A_391 : i32 to index
          %swap3A_852 = arith.index_cast %scan3A_440 : i32 to index
          %swap3A_853 = arith.constant 496 : index
          %swap3A_854 = tpu.vector_load %arg7[%swap3A_851, %swap3A_852, %swap3A_853] {strides = array<i32>} : memref<2x16x512xf32, #tpu.memory_space<vmem>>, vector<1x1x16xf32>,
          %swap3A_855 = vector.shape_cast %swap3A_854 : vector<1x1x16xf32> to vector<16xf32>
          %swap3A_856 = vector.shape_cast %get3A_850 : vector<16xf32> to vector<1x1x16xf32>
          tpu.vector_store %arg7[%swap3A_851, %swap3A_852, %swap3A_853], %swap3A_856 {strides = array<i32>} : memref<2x16x512xf32, #tpu.memory_space<vmem>>, vector<1x1x16xf32>,
        }
        %scan3A_397 = arith.constant 16 : i32
        %rem3A_398 = arith.constant 2 : i32
        %rem3A_399 = arith.remsi %select_n3A_382, %rem3A_398 : i32
        %mul3A_400 = arith.constant 16 : i32
        %mul3A_401 = arith.muli %mul3A_400, %select_n3A_382 : i32
        %add3A_402 = arith.addi %mul3A_76, %mul3A_401 : i32
        %multiple_of3A_403 = tpu.assume_multiple %add3A_402, 16 : i32
        %dma_start3A_404 = arith.constant 0 : i32
        %dma_start3A_405 = arith.constant 0 : i32
        %dma_start3A_406 = arith.constant 0 : i32
        %dma_start3A_407 = tpu.memref_slice %arg7[%rem3A_399, %dma_start3A_405, %dma_start3A_406] : memref<2x16x512xf32, #tpu.memory_space<vmem>> -> memref<1x16x512xf32, #tpu.memory_space<vmem>>
        %dma_start3A_408 = tpu.memref_squeeze %dma_start3A_407 : memref<1x16x512xf32, #tpu.memory_space<vmem>> -> memref<16x512xf32, #tpu.memory_space<vmem>>
        %dma_start3A_409 = arith.constant 0 : i32
        %dma_start3A_410 = tpu.memref_slice %arg4[%dma_start3A_404, %add3A_58, %multiple_of3A_403, %dma_start3A_409] : memref<2x80x512x512xf32, #tpu.memory_space<hbm>> -> memref<1x1x16x512xf32, #tpu.memory_space<hbm>>
        %dma_start3A_411 = tpu.memref_squeeze %dma_start3A_410 : memref<1x1x16x512xf32, #tpu.memory_space<hbm>> -> memref<16x512xf32, #tpu.memory_space<hbm>>
        %dma_start3A_412 = arith.constant 0 : i32
        %dma_start3A_413 = tpu.memref_slice %arg4[%dma_start3A_404, %add3A_58, %multiple_of3A_403, %dma_start3A_412] : memref<2x80x512x512xf32, #tpu.memory_space<hbm>> -> memref<1x1x16x512xf32, #tpu.memory_space<hbm>>
        %dma_start3A_414 = tpu.memref_squeeze %dma_start3A_413 : memref<1x1x16x512xf32, #tpu.memory_space<hbm>> -> memref<16x512xf32, #tpu.memory_space<hbm>>
        %dma_start3A_415 = arith.constant 0 : i32
        %dma_start3A_416 = arith.constant 0 : i32
        %dma_start3A_417 = tpu.memref_slice %arg7[%rem3A_399, %dma_start3A_415, %dma_start3A_416] : memref<2x16x512xf32, #tpu.memory_space<vmem>> -> memref<1x16x512xf32, #tpu.memory_space<vmem>>
        %dma_start3A_418 = tpu.memref_squeeze %dma_start3A_417 : memref<1x16x512xf32, #tpu.memory_space<vmem>> -> memref<16x512xf32, #tpu.memory_space<vmem>>
        tpu.enqueue_dma source(%dma_start3A_418 : memref<16x512xf32, #tpu.memory_space<vmem>>) target(%dma_start3A_414 : memref<16x512xf32, #tpu.memory_space<hbm>>) target_semaphore(%arg11 : memref<!tpu.dma_semaphore, #tpu.memory_space<semaphore_mem>>)
        %rem3A_419 = arith.constant 2 : i32
        %rem3A_420 = arith.remsi %select_n3A_382, %rem3A_419 : i32
        %mul3A_421 = arith.constant 16 : i32
        %mul3A_422 = arith.muli %mul3A_421, %select_n3A_382 : i32
        %add3A_423 = arith.addi %mul3A_76, %mul3A_422 : i32
        %multiple_of3A_424 = tpu.assume_multiple %add3A_423, 16 : i32
        %dma_start3A_425 = arith.constant 1 : i32
        %dma_start3A_426 = arith.constant 0 : i32
        %dma_start3A_427 = arith.constant 0 : i32
        %dma_start3A_428 = tpu.memref_slice %arg7[%rem3A_420, %dma_start3A_426, %dma_start3A_427] : memref<2x16x512xf32, #tpu.memory_space<vmem>> -> memref<1x16x512xf32, #tpu.memory_space<vmem>>
        %dma_start3A_429 = tpu.memref_squeeze %dma_start3A_428 : memref<1x16x512xf32, #tpu.memory_space<vmem>> -> memref<16x512xf32, #tpu.memory_space<vmem>>
        %dma_start3A_430 = arith.constant 0 : i32
        %dma_start3A_431 = tpu.memref_slice %arg4[%dma_start3A_425, %add3A_58, %multiple_of3A_424, %dma_start3A_430] : memref<2x80x512x512xf32, #tpu.memory_space<hbm>> -> memref<1x1x16x512xf32, #tpu.memory_space<hbm>>
        %dma_start3A_432 = tpu.memref_squeeze %dma_start3A_431 : memref<1x1x16x512xf32, #tpu.memory_space<hbm>> -> memref<16x512xf32, #tpu.memory_space<hbm>>
        %dma_start3A_433 = arith.constant 0 : i32
        %dma_start3A_434 = tpu.memref_slice %arg4[%dma_start3A_425, %add3A_58, %multiple_of3A_424, %dma_start3A_433] : memref<2x80x512x512xf32, #tpu.memory_space<hbm>> -> memref<1x1x16x512xf32, #tpu.memory_space<hbm>>
        %dma_start3A_435 = tpu.memref_squeeze %dma_start3A_434 : memref<1x1x16x512xf32, #tpu.memory_space<hbm>> -> memref<16x512xf32, #tpu.memory_space<hbm>>
        %dma_start3A_436 = arith.constant 0 : i32
        %dma_start3A_437 = arith.constant 0 : i32
        %dma_start3A_438 = tpu.memref_slice %arg7[%rem3A_420, %dma_start3A_436, %dma_start3A_437] : memref<2x16x512xf32, #tpu.memory_space<vmem>> -> memref<1x16x512xf32, #tpu.memory_space<vmem>>
        %dma_start3A_439 = tpu.memref_squeeze %dma_start3A_438 : memref<1x16x512xf32, #tpu.memory_space<vmem>> -> memref<16x512xf32, #tpu.memory_space<vmem>>
        tpu.enqueue_dma source(%dma_start3A_439 : memref<16x512xf32, #tpu.memory_space<vmem>>) target(%dma_start3A_435 : memref<16x512xf32, #tpu.memory_space<hbm>>) target_semaphore(%arg11 : memref<!tpu.dma_semaphore, #tpu.memory_space<semaphore_mem>>)
      } else {
      }
    }
    %scan3A_100 = arith.constant 64 : i32
    %add3A_101 = arith.constant 3 : i32
    %add3A_102 = arith.addi %mul3A_32, %add3A_101 : i32
    %multiple_of3A_103 = arith.constant 448 : i32
    %multiple_of3A_104 = tpu.assume_multiple %multiple_of3A_103, 32 : i32
    %rem3A_105 = arith.constant 62 : i32
    %rem3A_106 = arith.constant 2 : i32
    %rem3A_107 = arith.remsi %rem3A_105, %rem3A_106 : i32
    %dma_wait3A = arith.constant 0 : i32
    %dma_wait3A_108 = arith.constant 0 : i32
    %dma_wait3A_109 = tpu.memref_slice %arg5[%rem3A_107, %dma_wait3A, %dma_wait3A_108] : memref<2x32x512xf32, #tpu.memory_space<vmem>> -> memref<1x32x512xf32, #tpu.memory_space<vmem>>
    %dma_wait3A_110 = tpu.memref_squeeze %dma_wait3A_109 : memref<1x32x512xf32, #tpu.memory_space<vmem>> -> memref<32x512xf32, #tpu.memory_space<vmem>>
    %dma_wait3A_111 = arith.constant 0 : i32
    %dma_wait3A_112 = tpu.memref_slice %arg4[%select_n3A, %add3A_102, %multiple_of3A_104, %dma_wait3A_111] : memref<2x80x512x512xf32, #tpu.memory_space<hbm>> -> memref<1x1x32x512xf32, #tpu.memory_space<hbm>>
    %dma_wait3A_113 = tpu.memref_squeeze %dma_wait3A_112 : memref<1x1x32x512xf32, #tpu.memory_space<hbm>> -> memref<32x512xf32, #tpu.memory_space<hbm>>
    %dma_wait3A_114 = arith.constant 0 : i32
    %dma_wait3A_115 = tpu.memref_slice %arg4[%select_n3A, %add3A_102, %multiple_of3A_104, %dma_wait3A_114] : memref<2x80x512x512xf32, #tpu.memory_space<hbm>> -> memref<1x1x32x512xf32, #tpu.memory_space<hbm>>
    %dma_wait3A_116 = tpu.memref_squeeze %dma_wait3A_115 : memref<1x1x32x512xf32, #tpu.memory_space<hbm>> -> memref<32x512xf32, #tpu.memory_space<hbm>>
    %dma_wait3A_117 = arith.constant 0 : i32
    %dma_wait3A_118 = arith.constant 0 : i32
    %dma_wait3A_119 = tpu.memref_slice %arg5[%rem3A_107, %dma_wait3A_117, %dma_wait3A_118] : memref<2x32x512xf32, #tpu.memory_space<vmem>> -> memref<1x32x512xf32, #tpu.memory_space<vmem>>
    %dma_wait3A_120 = tpu.memref_squeeze %dma_wait3A_119 : memref<1x32x512xf32, #tpu.memory_space<vmem>> -> memref<32x512xf32, #tpu.memory_space<vmem>>
    tpu.wait_dma2 semaphore(%arg9 : memref<!tpu.dma_semaphore, #tpu.memory_space<semaphore_mem>>) src(%dma_wait3A_120 : memref<32x512xf32, #tpu.memory_space<vmem>>) dst(%dma_wait3A_116 : memref<32x512xf32, #tpu.memory_space<hbm>>)
    %add3A_121 = arith.constant 3 : i32
    %add3A_122 = arith.addi %mul3A_32, %add3A_121 : i32
    %multiple_of3A_123 = arith.constant 480 : i32
    %multiple_of3A_124 = tpu.assume_multiple %multiple_of3A_123, 32 : i32
    %rem3A_125 = arith.constant 63 : i32
    %rem3A_126 = arith.constant 2 : i32
    %rem3A_127 = arith.remsi %rem3A_125, %rem3A_126 : i32
    %dma_wait3A_128 = arith.constant 0 : i32
    %dma_wait3A_129 = arith.constant 0 : i32
    %dma_wait3A_130 = tpu.memref_slice %arg5[%rem3A_127, %dma_wait3A_128, %dma_wait3A_129] : memref<2x32x512xf32, #tpu.memory_space<vmem>> -> memref<1x32x512xf32, #tpu.memory_space<vmem>>
    %dma_wait3A_131 = tpu.memref_squeeze %dma_wait3A_130 : memref<1x32x512xf32, #tpu.memory_space<vmem>> -> memref<32x512xf32, #tpu.memory_space<vmem>>
    %dma_wait3A_132 = arith.constant 0 : i32
    %dma_wait3A_133 = tpu.memref_slice %arg4[%select_n3A, %add3A_122, %multiple_of3A_124, %dma_wait3A_132] : memref<2x80x512x512xf32, #tpu.memory_space<hbm>> -> memref<1x1x32x512xf32, #tpu.memory_space<hbm>>
    %dma_wait3A_134 = tpu.memref_squeeze %dma_wait3A_133 : memref<1x1x32x512xf32, #tpu.memory_space<hbm>> -> memref<32x512xf32, #tpu.memory_space<hbm>>
    %dma_wait3A_135 = arith.constant 0 : i32
    %dma_wait3A_136 = tpu.memref_slice %arg4[%select_n3A, %add3A_122, %multiple_of3A_124, %dma_wait3A_135] : memref<2x80x512x512xf32, #tpu.memory_space<hbm>> -> memref<1x1x32x512xf32, #tpu.memory_space<hbm>>
    %dma_wait3A_137 = tpu.memref_squeeze %dma_wait3A_136 : memref<1x1x32x512xf32, #tpu.memory_space<hbm>> -> memref<32x512xf32, #tpu.memory_space<hbm>>
    %dma_wait3A_138 = arith.constant 0 : i32
    %dma_wait3A_139 = arith.constant 0 : i32
    %dma_wait3A_140 = tpu.memref_slice %arg5[%rem3A_127, %dma_wait3A_138, %dma_wait3A_139] : memref<2x32x512xf32, #tpu.memory_space<vmem>> -> memref<1x32x512xf32, #tpu.memory_space<vmem>>
    %dma_wait3A_141 = tpu.memref_squeeze %dma_wait3A_140 : memref<1x32x512xf32, #tpu.memory_space<vmem>> -> memref<32x512xf32, #tpu.memory_space<vmem>>
    tpu.wait_dma2 semaphore(%arg9 : memref<!tpu.dma_semaphore, #tpu.memory_space<semaphore_mem>>) src(%dma_wait3A_141 : memref<32x512xf32, #tpu.memory_space<vmem>>) dst(%dma_wait3A_137 : memref<32x512xf32, #tpu.memory_space<hbm>>)
    %rem3A_142 = arith.constant 14 : i32
    %rem3A_143 = arith.constant 2 : i32
    %rem3A_144 = arith.remsi %rem3A_142, %rem3A_143 : i32
    %add3A_145 = arith.constant 224 : i32
    %add3A_146 = arith.addi %mul3A_76, %add3A_145 : i32
    %multiple_of3A_147 = tpu.assume_multiple %add3A_146, 16 : i32
    %dma_wait3A_148 = arith.constant 0 : i32
    %dma_wait3A_149 = arith.constant 0 : i32
    %dma_wait3A_150 = arith.constant 0 : i32
    %dma_wait3A_151 = tpu.memref_slice %arg7[%rem3A_144, %dma_wait3A_149, %dma_wait3A_150] : memref<2x16x512xf32, #tpu.memory_space<vmem>> -> memref<1x16x512xf32, #tpu.memory_space<vmem>>
    %dma_wait3A_152 = tpu.memref_squeeze %dma_wait3A_151 : memref<1x16x512xf32, #tpu.memory_space<vmem>> -> memref<16x512xf32, #tpu.memory_space<vmem>>
    %dma_wait3A_153 = arith.constant 0 : i32
    %dma_wait3A_154 = tpu.memref_slice %arg4[%dma_wait3A_148, %add3A_58, %multiple_of3A_147, %dma_wait3A_153] : memref<2x80x512x512xf32, #tpu.memory_space<hbm>> -> memref<1x1x16x512xf32, #tpu.memory_space<hbm>>
    %dma_wait3A_155 = tpu.memref_squeeze %dma_wait3A_154 : memref<1x1x16x512xf32, #tpu.memory_space<hbm>> -> memref<16x512xf32, #tpu.memory_space<hbm>>
    %dma_wait3A_156 = arith.constant 0 : i32
    %dma_wait3A_157 = tpu.memref_slice %arg4[%dma_wait3A_148, %add3A_58, %multiple_of3A_147, %dma_wait3A_156] : memref<2x80x512x512xf32, #tpu.memory_space<hbm>> -> memref<1x1x16x512xf32, #tpu.memory_space<hbm>>
    %dma_wait3A_158 = tpu.memref_squeeze %dma_wait3A_157 : memref<1x1x16x512xf32, #tpu.memory_space<hbm>> -> memref<16x512xf32, #tpu.memory_space<hbm>>
    %dma_wait3A_159 = arith.constant 0 : i32
    %dma_wait3A_160 = arith.constant 0 : i32
    %dma_wait3A_161 = tpu.memref_slice %arg7[%rem3A_144, %dma_wait3A_159, %dma_wait3A_160] : memref<2x16x512xf32, #tpu.memory_space<vmem>> -> memref<1x16x512xf32, #tpu.memory_space<vmem>>
    %dma_wait3A_162 = tpu.memref_squeeze %dma_wait3A_161 : memref<1x16x512xf32, #tpu.memory_space<vmem>> -> memref<16x512xf32, #tpu.memory_space<vmem>>
    tpu.wait_dma2 semaphore(%arg11 : memref<!tpu.dma_semaphore, #tpu.memory_space<semaphore_mem>>) src(%dma_wait3A_162 : memref<16x512xf32, #tpu.memory_space<vmem>>) dst(%dma_wait3A_158 : memref<16x512xf32, #tpu.memory_space<hbm>>)
    %rem3A_163 = arith.constant 14 : i32
    %rem3A_164 = arith.constant 2 : i32
    %rem3A_165 = arith.remsi %rem3A_163, %rem3A_164 : i32
    %add3A_166 = arith.constant 224 : i32
    %add3A_167 = arith.addi %mul3A_76, %add3A_166 : i32
    %multiple_of3A_168 = tpu.assume_multiple %add3A_167, 16 : i32
    %dma_wait3A_169 = arith.constant 1 : i32
    %dma_wait3A_170 = arith.constant 0 : i32
    %dma_wait3A_171 = arith.constant 0 : i32
    %dma_wait3A_172 = tpu.memref_slice %arg7[%rem3A_165, %dma_wait3A_170, %dma_wait3A_171] : memref<2x16x512xf32, #tpu.memory_space<vmem>> -> memref<1x16x512xf32, #tpu.memory_space<vmem>>
    %dma_wait3A_173 = tpu.memref_squeeze %dma_wait3A_172 : memref<1x16x512xf32, #tpu.memory_space<vmem>> -> memref<16x512xf32, #tpu.memory_space<vmem>>
    %dma_wait3A_174 = arith.constant 0 : i32
    %dma_wait3A_175 = tpu.memref_slice %arg4[%dma_wait3A_169, %add3A_58, %multiple_of3A_168, %dma_wait3A_174] : memref<2x80x512x512xf32, #tpu.memory_space<hbm>> -> memref<1x1x16x512xf32, #tpu.memory_space<hbm>>
    %dma_wait3A_176 = tpu.memref_squeeze %dma_wait3A_175 : memref<1x1x16x512xf32, #tpu.memory_space<hbm>> -> memref<16x512xf32, #tpu.memory_space<hbm>>
    %dma_wait3A_177 = arith.constant 0 : i32
    %dma_wait3A_178 = tpu.memref_slice %arg4[%dma_wait3A_169, %add3A_58, %multiple_of3A_168, %dma_wait3A_177] : memref<2x80x512x512xf32, #tpu.memory_space<hbm>> -> memref<1x1x16x512xf32, #tpu.memory_space<hbm>>
    %dma_wait3A_179 = tpu.memref_squeeze %dma_wait3A_178 : memref<1x1x16x512xf32, #tpu.memory_space<hbm>> -> memref<16x512xf32, #tpu.memory_space<hbm>>
    %dma_wait3A_180 = arith.constant 0 : i32
    %dma_wait3A_181 = arith.constant 0 : i32
    %dma_wait3A_182 = tpu.memref_slice %arg7[%rem3A_165, %dma_wait3A_180, %dma_wait3A_181] : memref<2x16x512xf32, #tpu.memory_space<vmem>> -> memref<1x16x512xf32, #tpu.memory_space<vmem>>
    %dma_wait3A_183 = tpu.memref_squeeze %dma_wait3A_182 : memref<1x16x512xf32, #tpu.memory_space<vmem>> -> memref<16x512xf32, #tpu.memory_space<vmem>>
    tpu.wait_dma2 semaphore(%arg11 : memref<!tpu.dma_semaphore, #tpu.memory_space<semaphore_mem>>) src(%dma_wait3A_183 : memref<16x512xf32, #tpu.memory_space<vmem>>) dst(%dma_wait3A_179 : memref<16x512xf32, #tpu.memory_space<hbm>>)
    %rem3A_184 = arith.constant 15 : i32
    %rem3A_185 = arith.constant 2 : i32
    %rem3A_186 = arith.remsi %rem3A_184, %rem3A_185 : i32
    %add3A_187 = arith.constant 240 : i32
    %add3A_188 = arith.addi %mul3A_76, %add3A_187 : i32
    %multiple_of3A_189 = tpu.assume_multiple %add3A_188, 16 : i32
    %dma_wait3A_190 = arith.constant 0 : i32
    %dma_wait3A_191 = arith.constant 0 : i32
    %dma_wait3A_192 = arith.constant 0 : i32
    %dma_wait3A_193 = tpu.memref_slice %arg7[%rem3A_186, %dma_wait3A_191, %dma_wait3A_192] : memref<2x16x512xf32, #tpu.memory_space<vmem>> -> memref<1x16x512xf32, #tpu.memory_space<vmem>>
    %dma_wait3A_194 = tpu.memref_squeeze %dma_wait3A_193 : memref<1x16x512xf32, #tpu.memory_space<vmem>> -> memref<16x512xf32, #tpu.memory_space<vmem>>
    %dma_wait3A_195 = arith.constant 0 : i32
    %dma_wait3A_196 = tpu.memref_slice %arg4[%dma_wait3A_190, %add3A_58, %multiple_of3A_189, %dma_wait3A_195] : memref<2x80x512x512xf32, #tpu.memory_space<hbm>> -> memref<1x1x16x512xf32, #tpu.memory_space<hbm>>
    %dma_wait3A_197 = tpu.memref_squeeze %dma_wait3A_196 : memref<1x1x16x512xf32, #tpu.memory_space<hbm>> -> memref<16x512xf32, #tpu.memory_space<hbm>>
    %dma_wait3A_198 = arith.constant 0 : i32
    %dma_wait3A_199 = tpu.memref_slice %arg4[%dma_wait3A_190, %add3A_58, %multiple_of3A_189, %dma_wait3A_198] : memref<2x80x512x512xf32, #tpu.memory_space<hbm>> -> memref<1x1x16x512xf32, #tpu.memory_space<hbm>>
    %dma_wait3A_200 = tpu.memref_squeeze %dma_wait3A_199 : memref<1x1x16x512xf32, #tpu.memory_space<hbm>> -> memref<16x512xf32, #tpu.memory_space<hbm>>
    %dma_wait3A_201 = arith.constant 0 : i32
    %dma_wait3A_202 = arith.constant 0 : i32
    %dma_wait3A_203 = tpu.memref_slice %arg7[%rem3A_186, %dma_wait3A_201, %dma_wait3A_202] : memref<2x16x512xf32, #tpu.memory_space<vmem>> -> memref<1x16x512xf32, #tpu.memory_space<vmem>>
    %dma_wait3A_204 = tpu.memref_squeeze %dma_wait3A_203 : memref<1x16x512xf32, #tpu.memory_space<vmem>> -> memref<16x512xf32, #tpu.memory_space<vmem>>
    tpu.wait_dma2 semaphore(%arg11 : memref<!tpu.dma_semaphore, #tpu.memory_space<semaphore_mem>>) src(%dma_wait3A_204 : memref<16x512xf32, #tpu.memory_space<vmem>>) dst(%dma_wait3A_200 : memref<16x512xf32, #tpu.memory_space<hbm>>)
    %rem3A_205 = arith.constant 15 : i32
    %rem3A_206 = arith.constant 2 : i32
    %rem3A_207 = arith.remsi %rem3A_205, %rem3A_206 : i32
    %add3A_208 = arith.constant 240 : i32
    %add3A_209 = arith.addi %mul3A_76, %add3A_208 : i32
    %multiple_of3A_210 = tpu.assume_multiple %add3A_209, 16 : i32
    %dma_wait3A_211 = arith.constant 1 : i32
    %dma_wait3A_212 = arith.constant 0 : i32
    %dma_wait3A_213 = arith.constant 0 : i32
    %dma_wait3A_214 = tpu.memref_slice %arg7[%rem3A_207, %dma_wait3A_212, %dma_wait3A_213] : memref<2x16x512xf32, #tpu.memory_space<vmem>> -> memref<1x16x512xf32, #tpu.memory_space<vmem>>
    %dma_wait3A_215 = tpu.memref_squeeze %dma_wait3A_214 : memref<1x16x512xf32, #tpu.memory_space<vmem>> -> memref<16x512xf32, #tpu.memory_space<vmem>>
    %dma_wait3A_216 = arith.constant 0 : i32
    %dma_wait3A_217 = tpu.memref_slice %arg4[%dma_wait3A_211, %add3A_58, %multiple_of3A_210, %dma_wait3A_216] : memref<2x80x512x512xf32, #tpu.memory_space<hbm>> -> memref<1x1x16x512xf32, #tpu.memory_space<hbm>>
    %dma_wait3A_218 = tpu.memref_squeeze %dma_wait3A_217 : memref<1x1x16x512xf32, #tpu.memory_space<hbm>> -> memref<16x512xf32, #tpu.memory_space<hbm>>
    %dma_wait3A_219 = arith.constant 0 : i32
    %dma_wait3A_220 = tpu.memref_slice %arg4[%dma_wait3A_211, %add3A_58, %multiple_of3A_210, %dma_wait3A_219] : memref<2x80x512x512xf32, #tpu.memory_space<hbm>> -> memref<1x1x16x512xf32, #tpu.memory_space<hbm>>
    %dma_wait3A_221 = tpu.memref_squeeze %dma_wait3A_220 : memref<1x1x16x512xf32, #tpu.memory_space<hbm>> -> memref<16x512xf32, #tpu.memory_space<hbm>>
    %dma_wait3A_222 = arith.constant 0 : i32
    %dma_wait3A_223 = arith.constant 0 : i32
    %dma_wait3A_224 = tpu.memref_slice %arg7[%rem3A_207, %dma_wait3A_222, %dma_wait3A_223] : memref<2x16x512xf32, #tpu.memory_space<vmem>> -> memref<1x16x512xf32, #tpu.memory_space<vmem>>
    %dma_wait3A_225 = tpu.memref_squeeze %dma_wait3A_224 : memref<1x16x512xf32, #tpu.memory_space<vmem>> -> memref<16x512xf32, #tpu.memory_space<vmem>>
    tpu.wait_dma2 semaphore(%arg11 : memref<!tpu.dma_semaphore, #tpu.memory_space<semaphore_mem>>) src(%dma_wait3A_225 : memref<16x512xf32, #tpu.memory_space<vmem>>) dst(%dma_wait3A_221 : memref<16x512xf32, #tpu.memory_space<hbm>>)
    return
  }
}

</mosaic_0001>

<sc_bundles>
// kernel: kernel.3.cloned.1.call-start
scs
__scs_entry_jumppad:
0x0: {  	(pc) =	sbr.rel $0x88, $3  }
0x1: {  	(tag) =	ssettag $0x0;
	lr =	simm.s32 $0x1  }
0x2: {  	[smem:$0x3F9F] =	sst lr;
	_ =	strace $0xD0000000  }
0x3: {  	_ = 	snop  }
0x4: {  	_ = 	snop  }
0x5: {  	_ = 	snop  }
0x6: {  	_ = 	snop  }
0x7: {  	_ = 	snop  }
__scs_overlays_trampoline_lowered:
0x8: {  	[smem:$0x3FAE] =	sst s0  }
0x9: {  	[smem:$0x3FAF] =	sst s1  }
0xa: {  	[smem:$0x3FB0] =	sst s2  }
0xb: {  	[smem:$0x3FB1] =	sst s3  }
0xc: {  	[smem:$0x3FB2] =	sst s4  }
0xd: {  	[smem:$0x3FB3] =	sst s5  }
0xe: {  	[smem:$0x3FB4] =	sst s6  }
0xf: {  	[smem:$0x3FB5] =	sst s7  }
0x10: {  	[smem:$0x3FB6] =	sst s8  }
0x11: {  	[smem:$0x3FB7] =	sst s9;
	s0 =	simm.s32 @!p0 $0x0  }
0x12: {  	s1 =	sld [smem:$0x3F9D];
	s0 =	simm.s32 @p0 $0x1  }
0x13: {  	[smem:$0x3FB8] =	sst s0;
	s0 =	simm.s32 @!p1 $0x0  }
0x14: {  	s2 =	sld [smem:$0x3F9C];
	s0 =	simm.s32 @p1 $0x1  }
0x15: {  	[smem:$0x3FB9] =	sst s0;
	s0 =	simm.s32 @!p2 $0x0  }
0x16: {  	s3 =	sld [smem:$0x3FDB];
	s0 =	simm.s32 @p2 $0x1  }
0x17: {  	s4 =	simm.s32 $0x1BF5;
	[smem:$0x3FBB] =	sst s0  }
0x18: {  	s0 =	sld [smem:$0x3F9E];
	_ =	swait.ge [sflag:s4], $0x0  }
0x19: {  	s7 =	sld [smem:$0x3F9F]  }
0x1a: {  	s8 =	sadd.s32 $0xFFFFE003, lr  }
0x1b: {  	s9 =	sadd.s32 $0xFFFFFEF7, lr;
	s5 =	simm.s32 $0xFFFFFFFF;
	p2 =	slt.u32 s8, $0xFFFFF086  }
0x1c: {  	p1 =	slt.u32 s9, $0xF7A;
	s5 =	simm.s32 @!p2 $0x0  }
0x1d: {  	s5 =	simm.s32 @p1 $0x1;
	p0 =	seq.s32 s7, s2  }
0x1e: {  	s7 =	smul.u32 @!p0 $0xF7A, s2;
	p2 =	seq.s32 @!p0 s5, $0x0  }
0x1f: {  	s9 =	smul.u32 $0xF7A, s1;
	s8 =	simm.s32 @!p0 $0x1BF5;
	p2 =	por !p2, p0  }
0x20: {  	[sflag:s8] =	ssyncset.s32 @!p0 $0xFFFFF086;
	s6 =	sadd.s32 @!p0 s3, s7;
	s7 =	simm.s32 @!p0 $0x108  }
0x21: {  	s3 =	sadd.s32 s3, s9;
	s6 =	sadd.s32 @!p0 $0x88, s6;
	s7 =	simm.s32 @p2 $0x1082  }
0x22: {  	[simem:s7], [sflag:s8] =	dma.local @!p0 [hbm:s6], $0xF7A  }
0x23: {  	s9 =	sor.u32 $0xD0000000, s2;
	s6 =	simm.s32 $0x108;
	_ =	swait.ge @!p0 [sflag:s8], $0x0  }
0x24: {  	s3 =	sadd.s32 $0x88, s3;
	s6 =	simm.s32 @!p1 $0x1082;
	[sflag:s4] =	ssyncset.s32 $0xFFFFF086  }
0x25: {  	[simem:s6], [sflag:s4] =	dma.local [hbm:s3], $0xF7A  }
0x26: {  	[smem:$0x3F9F] =	sst s1;
	(tag) =	ssettag s2;
	_ =	strace s9  }
0x27: {  	s1 =	sld [smem:$0x3FAF]  }
0x28: {  	s2 =	sld [smem:$0x3FB0]  }
0x29: {  	s4 =	sld [smem:$0x3FB2]  }
0x2a: {  	p0 =	seq.s32 s5, $0x0;
	s5 =	sld [smem:$0x3FB3]  }
0x2b: {  	s6 =	sld [smem:$0x3FB4]  }
0x2c: {  	s7 =	sld [smem:$0x3FB5]  }
0x2d: {  	s3 =	simm.s32 $0x108;
	s8 =	sld [smem:$0x3FB6]  }
0x2e: {  	s3 =	simm.s32 @!p0 $0x1082;
	s9 =	sld [smem:$0x3FB7]  }
0x2f: {  	lr =	sadd.s32 s0, s3;
	s0 =	sld [smem:$0x3FAE]  }
0x30: {  	s3 =	sld [smem:$0x3FB1]  }
0x31: {  	[smem:$0x3FBA] =	sst s10  }
0x32: {  	s10 =	sld [smem:$0x3FB8];
	_ =	sdelay $0x3  }
0x33: {  	p0 =	seq.s32 s10, $0x1;
	s10 =	sld [smem:$0x3FBA];
	_ =	sdelay $0x3  }
0x34: {  	[smem:$0x3FBA] =	sst s10  }
0x35: {  	s10 =	sld [smem:$0x3FB9];
	_ =	sdelay $0x3  }
0x36: {  	p1 =	seq.s32 s10, $0x1;
	s10 =	sld [smem:$0x3FBA];
	_ =	sdelay $0x3  }
0x37: {  	[smem:$0x3FBA] =	sst s10  }
0x38: {  	s10 =	sld [smem:$0x3FBB]  }
0x39: {  	_ = 	snop;
	(pc) =	sbr.ind lr, $3  }
0x3a: {  	_ = 	snop  }
0x3b: {  	_ = 	snop  }
0x3c: {  	p2 =	seq.s32 s10, $0x1;
	s10 =	sld [smem:$0x3FBA]  }
0x3d: {  	_ =	shalt  }
0x3e: {  	_ =	shalt  }
0x3f: {  	_ =	shalt  }
0x40: {  	_ =	shalt  }
0x41: {  	_ =	shalt  }
0x42: {  	_ =	shalt  }
0x43: {  	_ =	shalt  }
0x44: {  	_ =	shalt  }
0x45: {  	_ =	shalt  }
0x46: {  	_ =	shalt  }
0x47: {  	_ =	shalt  }
0x48: {  	_ =	shalt  }
0x49: {  	_ =	shalt  }
0x4a: {  	_ =	shalt  }
0x4b: {  	_ =	shalt  }
0x4c: {  	_ =	shalt  }
0x4d: {  	_ =	shalt  }
0x4e: {  	_ =	shalt  }
0x4f: {  	_ =	shalt  }
0x50: {  	_ =	shalt  }
0x51: {  	_ =	shalt  }
0x52: {  	_ =	shalt  }
0x53: {  	_ =	shalt  }
0x54: {  	_ =	shalt  }
0x55: {  	_ =	shalt  }
0x56: {  	_ =	shalt  }
0x57: {  	_ =	shalt  }
0x58: {  	_ =	shalt  }
0x59: {  	_ =	shalt  }
0x5a: {  	_ =	shalt  }
0x5b: {  	_ =	shalt  }
0x5c: {  	_ =	shalt  }
0x5d: {  	_ =	shalt  }
0x5e: {  	_ =	shalt  }
0x5f: {  	_ =	shalt  }
0x60: {  	_ =	shalt  }
0x61: {  	_ =	shalt  }
0x62: {  	_ =	shalt  }
0x63: {  	_ =	shalt  }
0x64: {  	_ =	shalt  }
0x65: {  	_ =	shalt  }
0x66: {  	_ =	shalt  }
0x67: {  	_ =	shalt  }
0x68: {  	_ =	shalt  }
0x69: {  	_ =	shalt  }
0x6a: {  	_ =	shalt  }
0x6b: {  	_ =	shalt  }
0x6c: {  	_ =	shalt  }
0x6d: {  	_ =	shalt  }
0x6e: {  	_ =	shalt  }
0x6f: {  	_ =	shalt  }
0x70: {  	_ =	shalt  }
0x71: {  	_ =	shalt  }
0x72: {  	_ =	shalt  }
0x73: {  	_ =	shalt  }
0x74: {  	_ =	shalt  }
0x75: {  	_ =	shalt  }
0x76: {  	_ =	shalt  }
0x77: {  	_ =	shalt  }
0x78: {  	_ =	shalt  }
0x79: {  	_ =	shalt  }
0x7a: {  	_ =	shalt  }
0x7b: {  	_ =	shalt  }
0x7c: {  	_ =	shalt  }
0x7d: {  	_ =	shalt  }
0x7e: {  	_ =	shalt  }
0x7f: {  	_ =	shalt  }
0x80: {  	_ =	shalt  }
0x81: {  	_ =	shalt  }
0x82: {  	_ =	shalt  }
0x83: {  	_ =	shalt  }
0x84: {  	_ =	shalt  }
0x85: {  	_ =	shalt  }
0x86: {  	_ =	shalt  }
0x87: {  	_ =	shalt  }
.Lfunc_end0:
.L_simem_size_0:
called_computation_lowered:
.L_overlay_start_0:
0x88: {  	s2 =	sld [smem:$0x3FD9]  }
0x89: {  	s3 =	sld [smem:$0x3FFE];
	_ =	sdelay $0x1  }
0x8a: {  	s1 =	srdreg.scid  }
0x8b: {  	s0 =	sand.u32 $0x1, s1  }
0x8c: {  	s17 =	sshll.u32 s0, $0xA;
	s2 =	sadd.s32 s3, s2  }
0x8d: {  	s2 =	sadd.s32 s2, s17  }
0x8e: {  	[smem:$0x3FC6] =	sst s2  }
0x8f: {  	_ = 	snop  }
0x90: {  	s2 =	sld [smem:$0x3FC9]  }
0x91: {  	s18 =	sld [smem:$0x3FD0];
	(tm) =	ssettm $0x1  }
0x92: {  	s4 =	sld [smem:$0x3FFB];
	_ =	sdelay $0x3  }
0x93: {  	_ =	strace s4  }
0x94: {  	s4 =	sld [smem:$0x3FFC];
	_ =	sdelay $0x3  }
0x95: {  	_ =	strace s4  }
0x96: {  	s4 =	sld [smem:$0x3FFD];
	_ =	sdelay $0x3  }
0x97: {  	_ =	strace s4  }
0x98: {  	_ =	strace $0x8FFFFFFF  }
0x99: {  	s19 =	sld [smem:$0x3FDB];
	_ =	sdelay $0x1  }
0x9a: {  	s5 =	simm.s32 $_scs_section_size  }
0x9b: {  	s6 =	simm.s32 $_size__tile_overlayer_lowered;
	s7 =	simm.s32 $_tile_overlayer_lowered  }
0x9c: {  	s22 =	simm.s32 $0x1BFF;
	s21 =	sshll.u32 s7, $0x1;
	s4 =	sadd.s32 s5, s19  }
0x9d: {  	s8 =	simm.s32 $0x0;
	s20 =	sshll.u32 s6, $0x1;
	s6 =	sadd.s32 s21, s4  }
0x9e: {  	[timem:s8], [sflag:s22] =	dma.local [hbm:s6], s20  }
0x9f: {  	_ =	swait.ge [sflag:s22], s20  }
0xa0: {  	s5 =	ssub.s32 $0x0, s20;
	[sflag:s22] =	ssyncset.done $0x0  }
0xa1: {  	[sflag:s22] =	ssyncadd.s32 s5;
	_ =	sdelay $0x1  }
0xa2: {  	s23 =	simm.s32 $0x1B8B  }
0xa3: {  	_ =	swait.ge [sflag:s23], $0x1  }
0xa4: {  	[sflag:s23] =	ssyncset.done $0x0  }
0xa5: {  	s25 =	simm.s32 $0x1B8E;
	s24 =	sld [smem:$0x3FFE];
	[sflag:s23] =	ssyncadd.s32 $0xFFFFFFFF  }
0xa6: {  	s26 =	simm.s32 $execute0_lowered;
	[smem:$0x3FD2] =	sst s25  }
0xa7: {  	s6 =	sshll.u32 s26, $0x1;
	_ =	strace $0x80000046;
	[dreg:$0x1] =	wrdreg $0xFFFFFFFF  }
0xa8: {  	s28 =	simm.s32 $_size_execute0_lowered;
	s4 =	sadd.s32 s4, s6;
	[dreg:$0x0] =	wrdreg $0x0  }
0xa9: {  	s6 =	sshll.u32 s28, $0x1;
	[dreg:$0x2] =	wrdreg s4  }
0xaa: {  	[dreg:$0x3] =	wrdreg s6  }
0xab: {  	[dreg:$0x4] =	wrdreg $0xC0  }
0xac: {  	_ =	task [dreg:s8], $0x5FFFF  }
0xad: {  	[dreg:$0x1] =	wrdreg $0xFFFFFFFF  }
0xae: {  	[dreg:$0x0] =	wrdreg $0x60  }
0xaf: {  	[dreg:$0x2] =	wrdreg s2  }
0xb0: {  	[dreg:$0x3] =	wrdreg s24  }
0xb1: {  	[dreg:$0x4] =	wrdreg s18  }
0xb2: {  	[dreg:$0x5] =	wrdreg $0x9  }
0xb3: {  	_ =	task.clear_ibuf [dreg:s8], $0x6FFFF;
	_ =	strace $0x90000046  }
0xb4: {  	s29 =	simm.s32 $0x9;
	_ =	strace $0x80000048  }
0xb5: {  	_ =	swait.ge [sflag:s29], $0x1  }
0xb6: {  	[sflag:s29] =	ssyncadd.s32 $0xFFFFFFFF  }
0xb7: {  	_ =	strace $0x90000048  }
0xb8: {  	_ =	sfence  }
0xb9: {  	s30 =	sld [smem:$0x0];
	_ =	sdelay $0x2  }
0xba: {  	s31 =	sshll.u32 s1, $0xD;
	s1 =	sshrl.u32 s1, $0x2  }
0xbb: {  	s3 =	sand.u32 $0x4000, s31;
	s1 =	sadd.s32 s1, s30  }
0xbc: {  	s0 =	sor.u32 s3, s0;
	s1 =	sshll.u32 s1, $0x11  }
0xbd: {  	s0 =	sor.u32 s1, s0  }
0xbe: {  	s0 =	sadd.s32 $0x8F2B, s0  }
0xbf: {  	[sflag:s0] =	ssyncadd.remote.s32 $0x1  }
0xc0: {  	_ =	sfence.sel $0xFFFF  }
0xc1: {  	[dreg:$0x0] =	wrdreg $0xFFFFFFFF;
	(pc) =	sbr.abs _section_cstart, $3  }
0xc2: {  	[dreg:$0x1] =	wrdreg $0xFFFFFFFF  }
0xc3: {  	_ =	task.clear_ibuf [dreg:s8], $0x2FFFF;
	_ =	strace $0x9FFFFFFF  }
0xc4: {  	(tm) =	ssettm $0x7FFFFFFF  }
0xc5: {  	_ =	shalt  }
tec
execute0_lowered:
.L_overlay_start_1:
0x0: {  	(tag) =	ssettag $0x1  }
0x1: {  	s1 =	rddreg [dreg:$0x0]  }
0x2: {  	s5 =	rddreg [dreg:$0x1]  }
0x3: {  	s2 =	rddreg [dreg:$0x2]  }
0x4: {  	s0 =	rddreg [dreg:$0x3];
	s4 =	simm.s32 $0x0;
	s6 =	srdreg.scid  }
0x5: {  	s3 =	stileid.u32;
	s9 =	simm.s32 $0x1;
	s16 =	simm.s32 $0x2  }
0x6: {  	s17 =	simm.s32 $0x4;
	s18 =	simm.s32 $0x0;
	[smem:$0x7FF] =	sst s4  }
0x7: {  	s11 =	sand.u32 $0x1, s6;
	s24 =	sshll.u32 s3, $0x1;
	s5 =	sadd.s32 $0x400, s5  }
0x8: {  	s10 =	sshrl.u32 s3, $0x3;
	s30 =	sshll.u32 s3, $0x5;
	_ =	strace $0x80000047  }
0x9: {  	s7 =	ssub.s32 $0x2, s11;
	s6 =	sor.u32 s11, s24;
	p1 =	seq.s32 s11, $0x1  }
0xa: {  	s15 =	sshll.u32 s11, $0x11;
	s29 =	sshll.u32 s11, $0x4;
	s8 =	sshrl.u32 s7, $0x1  }
0xb: {  	p0 =	seq.s32 s6, $0x0;
	s25 =	sand.u32 $0xF, s6;
	s31 =	sor.u32 s30, s29  }
0xc: {  	s12 =	ssub.s32 s7, s8;
	p0 =	por !p0, !p1;
	s6 =	sshll.u32 s25, $0x2  }
0xd: {  	s7 =	sshll.u32 s10, $0x18;
	s13 =	sshll.u32 s25, $0x14;
	p0 =	por !p0, !p0  }
.Ltmp0:
0xe: {  	s8 =	simm.s32 $0x1;
	s9 =	simm.s32 @!p0 $0x0;
	(pc) =	sbr.rel .LBB2_1-.Ltmp0, $4  }
0xf: {  	s10 =	smul.u32 $0x1400000, s10;
	s13 =	sor.u32 s7, s13;
	s14 =	ssub.s32 s3, s9  }
0x10: {  	s12 =	smax.u32 s12, $0x1;
	s26 =	sshrl.u32 s13, $0x3;
	s28 =	sshll.u32 s14, $0x12  }
0x11: {  	s9 =	sadd.s32 s1, s26;
	s14 =	simm.s32 $0x8000;
	s13 =	sor.u32 s15, s28  }
0x12: {  	s15 =	simm.s32 $0x3;
	s11 =	sadd.s32 $0x1000000, s13;
	s13 =	ssub.s32 $0x0, s31  }
.LBB2_11:
0x13: {  	_ =	swait.ge [sflag:s16], $0x4000  }
0x14: {  	[sflag:s16] =	ssyncset.done $0x0  }
0x15: {  	[sflag:s16] =	ssyncadd.s32 $0xFFFFC000  }
0x16: {  	_ =	swait.ge [sflag:s16], $0x4000  }
0x17: {  	[sflag:s16] =	ssyncset.done $0x0  }
0x18: {  	[sflag:s16] =	ssyncadd.s32 $0xFFFFC000  }
0x19: {  	_ =	swait.ge [sflag:s17], $0x2000  }
0x1a: {  	[sflag:s17] =	ssyncset.done $0x0  }
0x1b: {  	[sflag:s17] =	ssyncadd.s32 $0xFFFFE000  }
0x1c: {  	_ =	swait.ge [sflag:s17], $0x2000  }
0x1d: {  	[sflag:s17] =	ssyncset.done $0x0  }
0x1e: {  	s18 =	sadd.s32 $0x1, s18;
	[sflag:s17] =	ssyncadd.s32 $0xFFFFE000  }
0x1f: {  	p0 =	sne.s32 s18, s12;
	_ =	swait.ge [sflag:s17], $0x2000  }
.Ltmp1:
0x20: {  	[sflag:s17] =	ssyncset.done $0x0;
	(pc) =	sbr.rel @!p0 .LBB2_12-.Ltmp1, $4  }
0x21: {  	[sflag:s17] =	ssyncadd.s32 $0xFFFFE000  }
0x22: {  	_ =	swait.ge [sflag:s17], $0x2000  }
0x23: {  	[sflag:s17] =	ssyncset.done $0x0  }
0x24: {  	[sflag:s17] =	ssyncadd.s32 $0xFFFFE000  }
.LBB2_1:
0x25: {  	[tilespmem:s14], [sflag:$0x3] =	stream.linear.gather [hbm4b:s5+s4], $0x10000, $0x38;
	[tilespmem:$0x1C000] =	vst v63  }
.Ltmp2:
0x26: {  	_ = 	snop;
	(pc) =	sbr.rel .LBB2_2-.Ltmp2, $4  }
0x27: {  	_ =	swait.ge [sflag:s15], $0x10000  }
0x28: {  	[sflag:s15] =	ssyncset.done $0x0  }
0x29: {  	s21 =	simm.s32 $0x0;
	[sflag:s15] =	ssyncadd.s32 $0xFFFF0000  }
0x2a: {  	[tilespmem:s4], [sflag:$0x1] =	stream.linear.gather [hbm4b:s9+s4], $0x4000, $0x38;
	[tilespmem:$0x1C000] =	vst v63  }
.LBB2_10:
0x2b: {  	p0 =	sne.s32 s19, $0x40  }
.Ltmp3:
0x2c: {  	_ = 	snop;
	(pc) =	sbr.rel @!p0 .LBB2_11-.Ltmp3, $2  }
0x2d: {  	_ =	sdelay $0x2  }
0x2e: {  	s21 =	smov.u32 s19  }
.LBB2_2:
0x2f: {  	p0 =	seq.s32 s21, $0x0  }
.Ltmp4:
0x30: {  	_ = 	snop;
	(pc) =	sbr.rel @p0 .LBB2_5-.Ltmp4, $2  }
0x31: {  	_ =	sdelay $0x2  }
0x32: {  	s19 =	sadd.s32 $0x1, s21  }
0x33: {  	p0 =	seq.s32 s21, $0x3F  }
.Ltmp5:
0x34: {  	_ = 	snop;
	(pc) =	sbr.rel @p0 .LBB2_6-.Ltmp5, $1  }
0x35: {  	_ =	sdelay $0x3  }
0x36: {  	_ =	swait.ge [sflag:s16], $0x4000  }
0x37: {  	[sflag:s16] =	ssyncset.done $0x0  }
0x38: {  	[sflag:s16] =	ssyncadd.s32 $0xFFFFC000  }
.LBB2_5:
0x39: {  	s20 =	sshrl.u32 s19, $0x4  }
0x3a: {  	s20 =	sadd.s32 s6, s20  }
0x3b: {  	s22 =	sshll.u32 s19, $0xE;
	s20 =	sshll.u32 s20, $0x12  }
0x3c: {  	s23 =	sand.u32 $0x3C000, s22;
	s20 =	sadd.s32 s7, s20  }
0x3d: {  	s20 =	sor.u32 s23, s20  }
0x3e: {  	s20 =	sshrl.u32 s20, $0x3  }
0x3f: {  	s22 =	sand.u32 $0x4000, s22;
	s20 =	sadd.s32 s1, s20  }
0x40: {  	[tilespmem:s22], [sflag:$0x1] =	stream.linear.gather [hbm4b:s20+s4], $0x4000, $0x38;
	[tilespmem:$0x1C000] =	vst v63  }
.LBB2_6:
0x41: {  	s20 =	sshrl.u32 s21, $0x4  }
0x42: {  	s31 =	sand.u32 $0x3, s21;
	s20 =	sadd.s32 s6, s20  }
0x43: {  	s22 =	sshll.u32 s21, $0xE;
	p0 =	sne.s32 s31, $0x3;
	s20 =	sshll.u32 s20, $0x12  }
.Ltmp6:
0x44: {  	s23 =	sand.u32 $0x3C000, s22;
	s20 =	sadd.s32 s10, s20;
	(pc) =	sbr.rel @p0 .LBB2_10-.Ltmp6, $4  }
0x45: {  	_ =	swait.ge [sflag:s8], $0x4000;
	s20 =	sor.u32 s23, s20  }
0x46: {  	[sflag:s8] =	ssyncset.done $0x0;
	s20 =	sshrl.u32 s20, $0x3  }
0x47: {  	s22 =	sand.u32 $0x4000, s22;
	[sflag:s8] =	ssyncadd.s32 $0xFFFFC000;
	s20 =	sadd.s32 s2, s20  }
0x48: {  	[hbm4b:s20+s4] =	stream.linear.scatter [tilespmem:s22], [sflag:$0x2], $0x4000, $0x38;
	[tilespmem:$0x1C000] =	vst v63  }
0x49: {  	s20 =	sshrl.u32 s21, $0x2  }
0x4a: {  	p0 =	slt.u32 s21, $0x8;
	s22 =	ssub.s32 s13, s20  }
0x4b: {  	s21 =	simm.s32 @!p0 $0x4;
	[dreg:$0x4] =	wrdreg s22  }
0x4c: {  	_ =	swait.ge @!p0 [sflag:s21], $0x2000  }
0x4d: {  	[sflag:s21] =	ssyncset.done @!p0 $0x0  }
0x4e: {  	[sflag:s21] =	ssyncadd.s32 @!p0 $0xFFFFE000  }
0x4f: {  	s25 =	sand.u32 $0x80, s20;
	_ =	swait.ge @!p0 [sflag:s21], $0x2000  }
0x50: {  	s22 =	sshrl.u32 s25, $0x7;
	s23 =	rddreg [dreg:$0x4]  }
0x51: {  	s22 =	sadd.s32 s22, s20;
	s25 =	sadd.s32 $0x0, s23  }
0x52: {  	s22 =	sand.u32 $0xFE, s22;
	s23 =	ssub.s32 $0x0, s25  }
0x53: {  	s22 =	ssub.s32 s20, s22;
	s23 =	smin.u32 s25, s23  }
0x54: {  	s22 =	sshll.u32 s22, $0x18;
	[sflag:s21] =	ssyncset.done @!p0 $0x0;
	s23 =	sshll.u32 s23, $0x9  }
0x55: {  	s22 =	sshra.s32 s22, $0x18;
	[sflag:s21] =	ssyncadd.s32 @!p0 $0xFFFFE000;
	s30 =	sshra.s32 s23, $0x2  }
0x56: {  	s26 =	sshll.u32 s22, $0xF;
	s22 =	simm.s32 $0x0;
	v0 =	vld [tilespmem:s30+$0x8000]  }
0x57: {  	s21 =	sshra.s32 s26, $0x2;
	s31 =	sand.u32 $0x1000, s22  }
0x58: {  	s24 =	sadd.s32 $0x1, s25;
	s26 =	sxor.u32 $0xFFFFFFFF, s25;
	s21 =	sadd.s32 $0x18000, s21  }
0x59: {  	s28 =	sand.u32 $0x380, s22;
	s24 =	smin.u32 s24, s26;
	s23 =	sadd.s32 s31, s21  }
0x5a: {  	s24 =	sshll.u32 s24, $0x9;
	s23 =	sadd.s32 s28, s23  }
0x5b: {  	s24 =	sshra.s32 s24, $0x2;
	[tilespmem:s23+$0x0] =	vst v0  }
0x5c: {  	v0 =	vld [tilespmem:s24+$0x8000];
	_ =	sdelay $0x1  }
0x5d: {  	s31 =	ssub.s32 $0xFFFFFFFE, s25;
	s30 =	sadd.s32 $0x2, s25  }
0x5e: {  	s24 =	smin.u32 s30, s31  }
0x5f: {  	s24 =	sshll.u32 s24, $0x9  }
0x60: {  	s24 =	sshra.s32 s24, $0x2;
	[tilespmem:s23+$0x10] =	vst v0  }
0x61: {  	v0 =	vld [tilespmem:s24+$0x8000];
	_ =	sdelay $0x1  }
0x62: {  	s30 =	sadd.s32 $0x3, s25;
	s31 =	ssub.s32 $0xFFFFFFFD, s25  }
0x63: {  	s24 =	smin.u32 s30, s31  }
0x64: {  	s24 =	sshll.u32 s24, $0x9  }
0x65: {  	s24 =	sshra.s32 s24, $0x2;
	[tilespmem:s23+$0x20] =	vst v0  }
0x66: {  	v0 =	vld [tilespmem:s24+$0x8000];
	_ =	sdelay $0x1  }
0x67: {  	s30 =	sadd.s32 $0x4, s25;
	s31 =	ssub.s32 $0xFFFFFFFC, s25  }
0x68: {  	s24 =	smin.u32 s30, s31  }
0x69: {  	s24 =	sshll.u32 s24, $0x9  }
0x6a: {  	s24 =	sshra.s32 s24, $0x2;
	[tilespmem:s23+$0x30] =	vst v0  }
0x6b: {  	v0 =	vld [tilespmem:s24+$0x8000];
	_ =	sdelay $0x1  }
0x6c: {  	s30 =	sadd.s32 $0x5, s25;
	s31 =	ssub.s32 $0xFFFFFFFB, s25  }
0x6d: {  	s24 =	smin.u32 s30, s31  }
0x6e: {  	s24 =	sshll.u32 s24, $0x9  }
0x6f: {  	s24 =	sshra.s32 s24, $0x2;
	[tilespmem:s23+$0x40] =	vst v0  }
0x70: {  	v0 =	vld [tilespmem:s24+$0x8000];
	_ =	sdelay $0x1  }
0x71: {  	s30 =	sadd.s32 $0x6, s25;
	s31 =	ssub.s32 $0xFFFFFFFA, s25  }
0x72: {  	s24 =	smin.u32 s30, s31  }
0x73: {  	s24 =	sshll.u32 s24, $0x9  }
0x74: {  	s24 =	sshra.s32 s24, $0x2;
	[tilespmem:s23+$0x50] =	vst v0  }
0x75: {  	v0 =	vld [tilespmem:s24+$0x8000];
	_ =	sdelay $0x1  }
0x76: {  	s30 =	sadd.s32 $0x7, s25;
	s31 =	ssub.s32 $0xFFFFFFF9, s25  }
0x77: {  	s24 =	smin.u32 s30, s31  }
0x78: {  	s24 =	sshll.u32 s24, $0x9  }
0x79: {  	s24 =	sshra.s32 s24, $0x2;
	[tilespmem:s23+$0x60] =	vst v0  }
0x7a: {  	v0 =	vld [tilespmem:s24+$0x8000];
	_ =	sdelay $0x1  }
0x7b: {  	s30 =	sadd.s32 $0x8, s25;
	s31 =	ssub.s32 $0xFFFFFFF8, s25  }
0x7c: {  	s24 =	smin.u32 s30, s31  }
0x7d: {  	s24 =	sshll.u32 s24, $0x9  }
0x7e: {  	s24 =	sshra.s32 s24, $0x2;
	[tilespmem:s23+$0x70] =	vst v0  }
0x7f: {  	v0 =	vld [tilespmem:s24+$0x8000];
	_ =	sdelay $0x1  }
0x80: {  	s30 =	sadd.s32 $0x9, s25;
	s31 =	ssub.s32 $0xFFFFFFF7, s25  }
0x81: {  	s24 =	smin.u32 s30, s31  }
0x82: {  	s24 =	sshll.u32 s24, $0x9  }
0x83: {  	s24 =	sshra.s32 s24, $0x2;
	[tilespmem:s23+$0x400] =	vst v0  }
0x84: {  	v0 =	vld [tilespmem:s24+$0x8000];
	_ =	sdelay $0x1  }
0x85: {  	s30 =	sadd.s32 $0xA, s25;
	s31 =	ssub.s32 $0xFFFFFFF6, s25  }
0x86: {  	s24 =	smin.u32 s30, s31  }
0x87: {  	s24 =	sshll.u32 s24, $0x9  }
0x88: {  	s24 =	sshra.s32 s24, $0x2;
	[tilespmem:s23+$0x410] =	vst v0  }
0x89: {  	v0 =	vld [tilespmem:s24+$0x8000];
	_ =	sdelay $0x1  }
0x8a: {  	s30 =	sadd.s32 $0xB, s25;
	s31 =	ssub.s32 $0xFFFFFFF5, s25  }
0x8b: {  	s24 =	smin.u32 s30, s31  }
0x8c: {  	s24 =	sshll.u32 s24, $0x9  }
0x8d: {  	s24 =	sshra.s32 s24, $0x2;
	[tilespmem:s23+$0x420] =	vst v0  }
0x8e: {  	v0 =	vld [tilespmem:s24+$0x8000];
	_ =	sdelay $0x1  }
0x8f: {  	s30 =	sadd.s32 $0xC, s25;
	s31 =	ssub.s32 $0xFFFFFFF4, s25  }
0x90: {  	s24 =	smin.u32 s30, s31  }
0x91: {  	s24 =	sshll.u32 s24, $0x9  }
0x92: {  	s24 =	sshra.s32 s24, $0x2;
	[tilespmem:s23+$0x430] =	vst v0  }
0x93: {  	v0 =	vld [tilespmem:s24+$0x8000];
	_ =	sdelay $0x1  }
0x94: {  	s30 =	sadd.s32 $0xD, s25;
	s31 =	ssub.s32 $0xFFFFFFF3, s25  }
0x95: {  	s24 =	smin.u32 s30, s31  }
0x96: {  	s24 =	sshll.u32 s24, $0x9  }
0x97: {  	s24 =	sshra.s32 s24, $0x2;
	[tilespmem:s23+$0x440] =	vst v0  }
0x98: {  	v0 =	vld [tilespmem:s24+$0x8000];
	_ =	sdelay $0x1  }
0x99: {  	s30 =	sadd.s32 $0xE, s25;
	s31 =	ssub.s32 $0xFFFFFFF2, s25  }
0x9a: {  	s24 =	smin.u32 s30, s31  }
0x9b: {  	s24 =	sshll.u32 s24, $0x9  }
0x9c: {  	s24 =	sshra.s32 s24, $0x2;
	[tilespmem:s23+$0x450] =	vst v0  }
0x9d: {  	v0 =	vld [tilespmem:s24+$0x8000];
	_ =	sdelay $0x1  }
0x9e: {  	s30 =	sadd.s32 $0xF, s25;
	s31 =	ssub.s32 $0xFFFFFFF1, s25  }
0x9f: {  	s24 =	smin.u32 s30, s31  }
0xa0: {  	s24 =	sshll.u32 s24, $0x9  }
0xa1: {  	s24 =	sshra.s32 s24, $0x2;
	[tilespmem:s23+$0x460] =	vst v0  }
0xa2: {  	v0 =	vld [tilespmem:s24+$0x8000];
	_ =	sdelay $0x1  }
0xa3: {  	s30 =	sadd.s32 $0x10, s25;
	s31 =	ssub.s32 $0xFFFFFFF0, s25  }
0xa4: {  	s24 =	smin.u32 s30, s31  }
0xa5: {  	s24 =	sshll.u32 s24, $0x9  }
0xa6: {  	s24 =	sshra.s32 s24, $0x2;
	[tilespmem:s23+$0x470] =	vst v0  }
0xa7: {  	v0 =	vld [tilespmem:s24+$0x8000];
	_ =	sdelay $0x1  }
0xa8: {  	s30 =	sadd.s32 $0x11, s25;
	s31 =	ssub.s32 $0xFFFFFFEF, s25  }
0xa9: {  	s24 =	smin.u32 s30, s31  }
0xaa: {  	s24 =	sshll.u32 s24, $0x9  }
0xab: {  	s24 =	sshra.s32 s24, $0x2;
	[tilespmem:s23+$0x800] =	vst v0  }
0xac: {  	v0 =	vld [tilespmem:s24+$0x8000];
	_ =	sdelay $0x1  }
0xad: {  	s30 =	sadd.s32 $0x12, s25;
	s31 =	ssub.s32 $0xFFFFFFEE, s25  }
0xae: {  	s24 =	smin.u32 s30, s31  }
0xaf: {  	s24 =	sshll.u32 s24, $0x9  }
0xb0: {  	s24 =	sshra.s32 s24, $0x2;
	[tilespmem:s23+$0x810] =	vst v0  }
0xb1: {  	v0 =	vld [tilespmem:s24+$0x8000];
	_ =	sdelay $0x1  }
0xb2: {  	s30 =	sadd.s32 $0x13, s25;
	s31 =	ssub.s32 $0xFFFFFFED, s25  }
0xb3: {  	s24 =	smin.u32 s30, s31  }
0xb4: {  	s24 =	sshll.u32 s24, $0x9  }
0xb5: {  	s24 =	sshra.s32 s24, $0x2;
	[tilespmem:s23+$0x820] =	vst v0  }
0xb6: {  	v0 =	vld [tilespmem:s24+$0x8000];
	_ =	sdelay $0x1  }
0xb7: {  	s30 =	sadd.s32 $0x14, s25;
	s31 =	ssub.s32 $0xFFFFFFEC, s25  }
0xb8: {  	s24 =	smin.u32 s30, s31  }
0xb9: {  	s24 =	sshll.u32 s24, $0x9  }
0xba: {  	s24 =	sshra.s32 s24, $0x2;
	[tilespmem:s23+$0x830] =	vst v0  }
0xbb: {  	v0 =	vld [tilespmem:s24+$0x8000];
	_ =	sdelay $0x1  }
0xbc: {  	s30 =	sadd.s32 $0x15, s25;
	s31 =	ssub.s32 $0xFFFFFFEB, s25  }
0xbd: {  	s24 =	smin.u32 s30, s31  }
0xbe: {  	s24 =	sshll.u32 s24, $0x9  }
0xbf: {  	s24 =	sshra.s32 s24, $0x2;
	[tilespmem:s23+$0x840] =	vst v0  }
0xc0: {  	v0 =	vld [tilespmem:s24+$0x8000];
	_ =	sdelay $0x1  }
0xc1: {  	s30 =	sadd.s32 $0x16, s25;
	s31 =	ssub.s32 $0xFFFFFFEA, s25  }
0xc2: {  	s24 =	smin.u32 s30, s31  }
0xc3: {  	s24 =	sshll.u32 s24, $0x9  }
0xc4: {  	s24 =	sshra.s32 s24, $0x2;
	[tilespmem:s23+$0x850] =	vst v0  }
0xc5: {  	v0 =	vld [tilespmem:s24+$0x8000];
	_ =	sdelay $0x1  }
0xc6: {  	s30 =	sadd.s32 $0x17, s25;
	s31 =	ssub.s32 $0xFFFFFFE9, s25  }
0xc7: {  	s24 =	smin.u32 s30, s31  }
0xc8: {  	s24 =	sshll.u32 s24, $0x9  }
0xc9: {  	s24 =	sshra.s32 s24, $0x2;
	[tilespmem:s23+$0x860] =	vst v0  }
0xca: {  	v0 =	vld [tilespmem:s24+$0x8000];
	_ =	sdelay $0x1  }
0xcb: {  	s30 =	sadd.s32 $0x18, s25;
	s31 =	ssub.s32 $0xFFFFFFE8, s25  }
0xcc: {  	s24 =	smin.u32 s30, s31  }
0xcd: {  	s24 =	sshll.u32 s24, $0x9  }
0xce: {  	s24 =	sshra.s32 s24, $0x2;
	[tilespmem:s23+$0x870] =	vst v0  }
0xcf: {  	v0 =	vld [tilespmem:s24+$0x8000];
	_ =	sdelay $0x1  }
0xd0: {  	s30 =	sadd.s32 $0x19, s25;
	s31 =	ssub.s32 $0xFFFFFFE7, s25  }
0xd1: {  	s24 =	smin.u32 s30, s31  }
0xd2: {  	s24 =	sshll.u32 s24, $0x9  }
0xd3: {  	s24 =	sshra.s32 s24, $0x2;
	[tilespmem:s23+$0xC00] =	vst v0  }
0xd4: {  	v0 =	vld [tilespmem:s24+$0x8000];
	_ =	sdelay $0x1  }
0xd5: {  	s30 =	sadd.s32 $0x1A, s25;
	s31 =	ssub.s32 $0xFFFFFFE6, s25  }
0xd6: {  	s24 =	smin.u32 s30, s31  }
0xd7: {  	s24 =	sshll.u32 s24, $0x9  }
0xd8: {  	s24 =	sshra.s32 s24, $0x2;
	[tilespmem:s23+$0xC10] =	vst v0  }
0xd9: {  	v0 =	vld [tilespmem:s24+$0x8000];
	_ =	sdelay $0x1  }
0xda: {  	s30 =	sadd.s32 $0x1B, s25;
	s31 =	ssub.s32 $0xFFFFFFE5, s25  }
0xdb: {  	s24 =	smin.u32 s30, s31  }
0xdc: {  	s24 =	sshll.u32 s24, $0x9  }
0xdd: {  	s24 =	sshra.s32 s24, $0x2;
	[tilespmem:s23+$0xC20] =	vst v0  }
0xde: {  	v0 =	vld [tilespmem:s24+$0x8000];
	_ =	sdelay $0x1  }
0xdf: {  	s30 =	sadd.s32 $0x1C, s25;
	s31 =	ssub.s32 $0xFFFFFFE4, s25  }
0xe0: {  	s24 =	smin.u32 s30, s31  }
0xe1: {  	s24 =	sshll.u32 s24, $0x9  }
0xe2: {  	s24 =	sshra.s32 s24, $0x2;
	[tilespmem:s23+$0xC30] =	vst v0  }
0xe3: {  	v0 =	vld [tilespmem:s24+$0x8000];
	_ =	sdelay $0x1  }
0xe4: {  	s26 =	sadd.s32 $0x1D, s25;
	s30 =	ssub.s32 $0xFFFFFFE3, s25  }
0xe5: {  	s24 =	smin.u32 s26, s30  }
0xe6: {  	s24 =	sshll.u32 s24, $0x9  }
0xe7: {  	s24 =	sshra.s32 s24, $0x2;
	[tilespmem:s23+$0xC40] =	vst v0  }
0xe8: {  	v0 =	vld [tilespmem:s24+$0x8000];
	_ =	sdelay $0x1  }
0xe9: {  	s28 =	ssub.s32 $0xFFFFFFE2, s25;
	s31 =	sadd.s32 $0x1E, s25  }
0xea: {  	s26 =	smin.u32 s31, s28  }
0xeb: {  	s26 =	sshll.u32 s26, $0x9  }
0xec: {  	s28 =	sadd.s32 $0x1F, s25;
	s25 =	ssub.s32 $0xFFFFFFE1, s25;
	s26 =	sshra.s32 s26, $0x2;
	[tilespmem:s23+$0xC50] =	vst v0  }
0xed: {  	s25 =	smin.u32 s28, s25;
	v0 =	vld [tilespmem:s26+$0x8000]  }
0xee: {  	s28 =	rddreg [dreg:$0x4];
	s29 =	sshll.u32 s25, $0x9  }
0xef: {  	s25 =	simm.s32 $0x0;
	s24 =	simm.s32 $0x20;
	s26 =	simm.s32 $0x40  }
.LBB2_8:
0xf0: {  	_ =	sdelay $0x1  }
0xf1: {  	s29 =	sshra.s32 s29, $0x2;
	[tilespmem:s23+$0xC60] =	vst v0  }
0xf2: {  	v0 =	vld [tilespmem:s29+$0x8000]  }
0xf3: {  	s28 =	sadd.s32 s24, s28  }
0xf4: {  	s29 =	ssub.s32 $0x0, s28  }
0xf5: {  	s29 =	smin.u32 s28, s29  }
0xf6: {  	s29 =	sshll.u32 s29, $0x9  }
0xf7: {  	s29 =	sshra.s32 s29, $0x2;
	[tilespmem:s23+$0xC70] =	vst v0  }
0xf8: {  	v0 =	vld [tilespmem:s29+$0x8000]  }
0xf9: {  	s22 =	sadd.s32 $0x80, s22;
	s25 =	sadd.s32 $0x200, s25  }
0xfa: {  	s30 =	sxor.u32 $0xFFFFFFFF, s28;
	s23 =	sand.u32 $0x1000, s25;
	s29 =	sadd.s32 $0x1, s28  }
0xfb: {  	s31 =	sand.u32 $0x380, s22;
	s23 =	sadd.s32 s23, s21;
	s29 =	smin.u32 s29, s30  }
0xfc: {  	s23 =	sadd.s32 s31, s23;
	s29 =	sshll.u32 s29, $0x9  }
0xfd: {  	s29 =	sshra.s32 s29, $0x2;
	[tilespmem:s23+$0x0] =	vst v0  }
0xfe: {  	v0 =	vld [tilespmem:s29+$0x8000];
	_ =	sdelay $0x1  }
0xff: {  	s31 =	ssub.s32 $0xFFFFFFFE, s28;
	s29 =	sadd.s32 $0x2, s28  }
0x100: {  	s29 =	smin.u32 s29, s31  }
0x101: {  	s29 =	sshll.u32 s29, $0x9  }
0x102: {  	s29 =	sshra.s32 s29, $0x2;
	[tilespmem:s23+$0x10] =	vst v0  }
0x103: {  	v0 =	vld [tilespmem:s29+$0x8000];
	_ =	sdelay $0x1  }
0x104: {  	s31 =	ssub.s32 $0xFFFFFFFD, s28;
	s29 =	sadd.s32 $0x3, s28  }
0x105: {  	s29 =	smin.u32 s29, s31  }
0x106: {  	s29 =	sshll.u32 s29, $0x9  }
0x107: {  	s29 =	sshra.s32 s29, $0x2;
	[tilespmem:s23+$0x20] =	vst v0  }
0x108: {  	v0 =	vld [tilespmem:s29+$0x8000];
	_ =	sdelay $0x1  }
0x109: {  	s31 =	ssub.s32 $0xFFFFFFFC, s28;
	s29 =	sadd.s32 $0x4, s28  }
0x10a: {  	s29 =	smin.u32 s29, s31  }
0x10b: {  	s29 =	sshll.u32 s29, $0x9  }
0x10c: {  	s29 =	sshra.s32 s29, $0x2;
	[tilespmem:s23+$0x30] =	vst v0  }
0x10d: {  	v0 =	vld [tilespmem:s29+$0x8000];
	_ =	sdelay $0x1  }
0x10e: {  	s31 =	ssub.s32 $0xFFFFFFFB, s28;
	s29 =	sadd.s32 $0x5, s28  }
0x10f: {  	s29 =	smin.u32 s29, s31  }
0x110: {  	s29 =	sshll.u32 s29, $0x9  }
0x111: {  	s29 =	sshra.s32 s29, $0x2;
	[tilespmem:s23+$0x40] =	vst v0  }
0x112: {  	v0 =	vld [tilespmem:s29+$0x8000];
	_ =	sdelay $0x1  }
0x113: {  	s31 =	ssub.s32 $0xFFFFFFFA, s28;
	s29 =	sadd.s32 $0x6, s28  }
0x114: {  	s29 =	smin.u32 s29, s31  }
0x115: {  	s29 =	sshll.u32 s29, $0x9  }
0x116: {  	s29 =	sshra.s32 s29, $0x2;
	[tilespmem:s23+$0x50] =	vst v0  }
0x117: {  	v0 =	vld [tilespmem:s29+$0x8000];
	_ =	sdelay $0x1  }
0x118: {  	s31 =	ssub.s32 $0xFFFFFFF9, s28;
	s29 =	sadd.s32 $0x7, s28  }
0x119: {  	s29 =	smin.u32 s29, s31  }
0x11a: {  	s29 =	sshll.u32 s29, $0x9  }
0x11b: {  	s29 =	sshra.s32 s29, $0x2;
	[tilespmem:s23+$0x60] =	vst v0  }
0x11c: {  	v0 =	vld [tilespmem:s29+$0x8000];
	_ =	sdelay $0x1  }
0x11d: {  	s31 =	ssub.s32 $0xFFFFFFF8, s28;
	s29 =	sadd.s32 $0x8, s28  }
0x11e: {  	s29 =	smin.u32 s29, s31  }
0x11f: {  	s29 =	sshll.u32 s29, $0x9  }
0x120: {  	s29 =	sshra.s32 s29, $0x2;
	[tilespmem:s23+$0x70] =	vst v0  }
0x121: {  	v0 =	vld [tilespmem:s29+$0x8000];
	_ =	sdelay $0x1  }
0x122: {  	s31 =	ssub.s32 $0xFFFFFFF7, s28;
	s29 =	sadd.s32 $0x9, s28  }
0x123: {  	s29 =	smin.u32 s29, s31  }
0x124: {  	s29 =	sshll.u32 s29, $0x9  }
0x125: {  	s29 =	sshra.s32 s29, $0x2;
	[tilespmem:s23+$0x400] =	vst v0  }
0x126: {  	v0 =	vld [tilespmem:s29+$0x8000];
	_ =	sdelay $0x1  }
0x127: {  	s31 =	ssub.s32 $0xFFFFFFF6, s28;
	s29 =	sadd.s32 $0xA, s28  }
0x128: {  	s29 =	smin.u32 s29, s31  }
0x129: {  	s29 =	sshll.u32 s29, $0x9  }
0x12a: {  	s29 =	sshra.s32 s29, $0x2;
	[tilespmem:s23+$0x410] =	vst v0  }
0x12b: {  	v0 =	vld [tilespmem:s29+$0x8000];
	_ =	sdelay $0x1  }
0x12c: {  	s31 =	ssub.s32 $0xFFFFFFF5, s28;
	s29 =	sadd.s32 $0xB, s28  }
0x12d: {  	s29 =	smin.u32 s29, s31  }
0x12e: {  	s29 =	sshll.u32 s29, $0x9  }
0x12f: {  	s29 =	sshra.s32 s29, $0x2;
	[tilespmem:s23+$0x420] =	vst v0  }
0x130: {  	v0 =	vld [tilespmem:s29+$0x8000];
	_ =	sdelay $0x1  }
0x131: {  	s31 =	ssub.s32 $0xFFFFFFF4, s28;
	s29 =	sadd.s32 $0xC, s28  }
0x132: {  	s29 =	smin.u32 s29, s31  }
0x133: {  	s29 =	sshll.u32 s29, $0x9  }
0x134: {  	s29 =	sshra.s32 s29, $0x2;
	[tilespmem:s23+$0x430] =	vst v0  }
0x135: {  	v0 =	vld [tilespmem:s29+$0x8000];
	_ =	sdelay $0x1  }
0x136: {  	s31 =	ssub.s32 $0xFFFFFFF3, s28;
	s29 =	sadd.s32 $0xD, s28  }
0x137: {  	s29 =	smin.u32 s29, s31  }
0x138: {  	s29 =	sshll.u32 s29, $0x9  }
0x139: {  	s29 =	sshra.s32 s29, $0x2;
	[tilespmem:s23+$0x440] =	vst v0  }
0x13a: {  	v0 =	vld [tilespmem:s29+$0x8000];
	_ =	sdelay $0x1  }
0x13b: {  	s31 =	ssub.s32 $0xFFFFFFF2, s28;
	s29 =	sadd.s32 $0xE, s28  }
0x13c: {  	s29 =	smin.u32 s29, s31  }
0x13d: {  	s29 =	sshll.u32 s29, $0x9  }
0x13e: {  	s29 =	sshra.s32 s29, $0x2;
	[tilespmem:s23+$0x450] =	vst v0  }
0x13f: {  	v0 =	vld [tilespmem:s29+$0x8000];
	_ =	sdelay $0x1  }
0x140: {  	s31 =	ssub.s32 $0xFFFFFFF1, s28;
	s29 =	sadd.s32 $0xF, s28  }
0x141: {  	s29 =	smin.u32 s29, s31  }
0x142: {  	s29 =	sshll.u32 s29, $0x9  }
0x143: {  	s29 =	sshra.s32 s29, $0x2;
	[tilespmem:s23+$0x460] =	vst v0  }
0x144: {  	v0 =	vld [tilespmem:s29+$0x8000];
	_ =	sdelay $0x1  }
0x145: {  	s31 =	ssub.s32 $0xFFFFFFF0, s28;
	s29 =	sadd.s32 $0x10, s28  }
0x146: {  	s29 =	smin.u32 s29, s31  }
0x147: {  	s29 =	sshll.u32 s29, $0x9  }
0x148: {  	s29 =	sshra.s32 s29, $0x2;
	[tilespmem:s23+$0x470] =	vst v0  }
0x149: {  	v0 =	vld [tilespmem:s29+$0x8000];
	_ =	sdelay $0x1  }
0x14a: {  	s31 =	ssub.s32 $0xFFFFFFEF, s28;
	s29 =	sadd.s32 $0x11, s28  }
0x14b: {  	s29 =	smin.u32 s29, s31  }
0x14c: {  	s29 =	sshll.u32 s29, $0x9  }
0x14d: {  	s29 =	sshra.s32 s29, $0x2;
	[tilespmem:s23+$0x800] =	vst v0  }
0x14e: {  	v0 =	vld [tilespmem:s29+$0x8000];
	_ =	sdelay $0x1  }
0x14f: {  	s31 =	ssub.s32 $0xFFFFFFEE, s28;
	s29 =	sadd.s32 $0x12, s28  }
0x150: {  	s29 =	smin.u32 s29, s31  }
0x151: {  	s29 =	sshll.u32 s29, $0x9  }
0x152: {  	s29 =	sshra.s32 s29, $0x2;
	[tilespmem:s23+$0x810] =	vst v0  }
0x153: {  	v0 =	vld [tilespmem:s29+$0x8000];
	_ =	sdelay $0x1  }
0x154: {  	s31 =	ssub.s32 $0xFFFFFFED, s28;
	s29 =	sadd.s32 $0x13, s28  }
0x155: {  	s29 =	smin.u32 s29, s31  }
0x156: {  	s29 =	sshll.u32 s29, $0x9  }
0x157: {  	s29 =	sshra.s32 s29, $0x2;
	[tilespmem:s23+$0x820] =	vst v0  }
0x158: {  	v0 =	vld [tilespmem:s29+$0x8000];
	_ =	sdelay $0x1  }
0x159: {  	s31 =	ssub.s32 $0xFFFFFFEC, s28;
	s29 =	sadd.s32 $0x14, s28  }
0x15a: {  	s29 =	smin.u32 s29, s31  }
0x15b: {  	s29 =	sshll.u32 s29, $0x9  }
0x15c: {  	s29 =	sshra.s32 s29, $0x2;
	[tilespmem:s23+$0x830] =	vst v0  }
0x15d: {  	v0 =	vld [tilespmem:s29+$0x8000];
	_ =	sdelay $0x1  }
0x15e: {  	s31 =	ssub.s32 $0xFFFFFFEB, s28;
	s29 =	sadd.s32 $0x15, s28  }
0x15f: {  	s29 =	smin.u32 s29, s31  }
0x160: {  	s29 =	sshll.u32 s29, $0x9  }
0x161: {  	s29 =	sshra.s32 s29, $0x2;
	[tilespmem:s23+$0x840] =	vst v0  }
0x162: {  	v0 =	vld [tilespmem:s29+$0x8000];
	_ =	sdelay $0x1  }
0x163: {  	s31 =	ssub.s32 $0xFFFFFFEA, s28;
	s29 =	sadd.s32 $0x16, s28  }
0x164: {  	s29 =	smin.u32 s29, s31  }
0x165: {  	s29 =	sshll.u32 s29, $0x9  }
0x166: {  	s29 =	sshra.s32 s29, $0x2;
	[tilespmem:s23+$0x850] =	vst v0  }
0x167: {  	v0 =	vld [tilespmem:s29+$0x8000];
	_ =	sdelay $0x1  }
0x168: {  	s31 =	ssub.s32 $0xFFFFFFE9, s28;
	s29 =	sadd.s32 $0x17, s28  }
0x169: {  	s29 =	smin.u32 s29, s31  }
0x16a: {  	s29 =	sshll.u32 s29, $0x9  }
0x16b: {  	s29 =	sshra.s32 s29, $0x2;
	[tilespmem:s23+$0x860] =	vst v0  }
0x16c: {  	v0 =	vld [tilespmem:s29+$0x8000];
	_ =	sdelay $0x1  }
0x16d: {  	s31 =	ssub.s32 $0xFFFFFFE8, s28;
	s29 =	sadd.s32 $0x18, s28  }
0x16e: {  	s29 =	smin.u32 s29, s31  }
0x16f: {  	s29 =	sshll.u32 s29, $0x9  }
0x170: {  	s29 =	sshra.s32 s29, $0x2;
	[tilespmem:s23+$0x870] =	vst v0  }
0x171: {  	v0 =	vld [tilespmem:s29+$0x8000];
	_ =	sdelay $0x1  }
0x172: {  	s31 =	ssub.s32 $0xFFFFFFE7, s28;
	s29 =	sadd.s32 $0x19, s28  }
0x173: {  	s29 =	smin.u32 s29, s31  }
0x174: {  	s29 =	sshll.u32 s29, $0x9  }
0x175: {  	s29 =	sshra.s32 s29, $0x2;
	[tilespmem:s23+$0xC00] =	vst v0  }
0x176: {  	v0 =	vld [tilespmem:s29+$0x8000];
	_ =	sdelay $0x1  }
0x177: {  	s31 =	ssub.s32 $0xFFFFFFE6, s28;
	s29 =	sadd.s32 $0x1A, s28  }
0x178: {  	s29 =	smin.u32 s29, s31  }
0x179: {  	s29 =	sshll.u32 s29, $0x9  }
0x17a: {  	s29 =	sshra.s32 s29, $0x2;
	[tilespmem:s23+$0xC10] =	vst v0  }
0x17b: {  	v0 =	vld [tilespmem:s29+$0x8000];
	_ =	sdelay $0x1  }
0x17c: {  	s31 =	ssub.s32 $0xFFFFFFE5, s28;
	s29 =	sadd.s32 $0x1B, s28  }
0x17d: {  	s29 =	smin.u32 s29, s31  }
0x17e: {  	s29 =	sshll.u32 s29, $0x9  }
0x17f: {  	s29 =	sshra.s32 s29, $0x2;
	[tilespmem:s23+$0xC20] =	vst v0  }
0x180: {  	v0 =	vld [tilespmem:s29+$0x8000];
	_ =	sdelay $0x1  }
0x181: {  	s31 =	ssub.s32 $0xFFFFFFE4, s28;
	s29 =	sadd.s32 $0x1C, s28  }
0x182: {  	s29 =	smin.u32 s29, s31  }
0x183: {  	s29 =	sshll.u32 s29, $0x9  }
0x184: {  	s29 =	sshra.s32 s29, $0x2;
	[tilespmem:s23+$0xC30] =	vst v0  }
0x185: {  	v0 =	vld [tilespmem:s29+$0x8000];
	_ =	sdelay $0x1  }
0x186: {  	s31 =	ssub.s32 $0xFFFFFFE3, s28;
	s29 =	sadd.s32 $0x1D, s28  }
0x187: {  	s29 =	smin.u32 s29, s31  }
0x188: {  	s29 =	sshll.u32 s29, $0x9  }
0x189: {  	s29 =	sshra.s32 s29, $0x2;
	[tilespmem:s23+$0xC40] =	vst v0  }
0x18a: {  	v0 =	vld [tilespmem:s29+$0x8000];
	_ =	sdelay $0x1  }
0x18b: {  	s31 =	ssub.s32 $0xFFFFFFE2, s28;
	s29 =	sadd.s32 $0x1E, s28  }
0x18c: {  	p0 =	sne.s32 s26, $0x1E0;
	s29 =	smin.u32 s29, s31  }
.Ltmp7:
0x18d: {  	s29 =	sshll.u32 s29, $0x9;
	(pc) =	sbr.rel @p0 .LBB2_8-.Ltmp7, $4  }
0x18e: {  	s29 =	sshra.s32 s29, $0x2;
	[tilespmem:s23+$0xC50] =	vst v0  }
0x18f: {  	v0 =	vld [tilespmem:s29+$0x8000];
	s29 =	sadd.s32 $0x1F, s28;
	s28 =	ssub.s32 $0xFFFFFFE1, s28  }
0x190: {  	s24 =	smov.u32 s26;
	s29 =	smin.u32 s29, s28  }
0x191: {  	s26 =	sadd.s32 $0x20, s26;
	s28 =	rddreg [dreg:$0x4];
	s29 =	sshll.u32 s29, $0x9  }
0x192: {  	_ =	sdelay $0x1  }
0x193: {  	s26 =	sshra.s32 s29, $0x2;
	[tilespmem:s23+$0xC60] =	vst v0  }
0x194: {  	v0 =	vld [tilespmem:s26+$0x8000]  }
0x195: {  	s24 =	sadd.s32 s24, s28  }
0x196: {  	s31 =	ssub.s32 $0x0, s24  }
0x197: {  	s26 =	smin.u32 s24, s31  }
0x198: {  	s26 =	sshll.u32 s26, $0x9  }
0x199: {  	s26 =	sshra.s32 s26, $0x2;
	[tilespmem:s23+$0xC70] =	vst v0  }
0x19a: {  	v0 =	vld [tilespmem:s26+$0x8000]  }
0x19b: {  	s22 =	sadd.s32 $0x80, s22;
	s25 =	sadd.s32 $0x200, s25  }
0x19c: {  	s28 =	sxor.u32 $0xFFFFFFFF, s24;
	s23 =	sand.u32 $0x1000, s25;
	s26 =	sadd.s32 $0x1, s24  }
0x19d: {  	s22 =	sand.u32 $0x380, s22;
	s23 =	sadd.s32 s23, s21;
	s25 =	smin.u32 s26, s28  }
0x19e: {  	s22 =	sadd.s32 s22, s23;
	s29 =	sshll.u32 s25, $0x9  }
0x19f: {  	s23 =	sshra.s32 s29, $0x2;
	[tilespmem:s22+$0x0] =	vst v0  }
0x1a0: {  	v0 =	vld [tilespmem:s23+$0x8000];
	_ =	sdelay $0x1  }
0x1a1: {  	s30 =	sadd.s32 $0x2, s24;
	s31 =	ssub.s32 $0xFFFFFFFE, s24  }
0x1a2: {  	s23 =	smin.u32 s30, s31  }
0x1a3: {  	s23 =	sshll.u32 s23, $0x9  }
0x1a4: {  	s23 =	sshra.s32 s23, $0x2;
	[tilespmem:s22+$0x10] =	vst v0  }
0x1a5: {  	v0 =	vld [tilespmem:s23+$0x8000];
	_ =	sdelay $0x1  }
0x1a6: {  	s26 =	ssub.s32 $0xFFFFFFFD, s24;
	s25 =	sadd.s32 $0x3, s24  }
0x1a7: {  	s23 =	smin.u32 s25, s26  }
0x1a8: {  	s23 =	sshll.u32 s23, $0x9  }
0x1a9: {  	s23 =	sshra.s32 s23, $0x2;
	[tilespmem:s22+$0x20] =	vst v0  }
0x1aa: {  	v0 =	vld [tilespmem:s23+$0x8000];
	_ =	sdelay $0x1  }
0x1ab: {  	s28 =	sadd.s32 $0x4, s24;
	s29 =	ssub.s32 $0xFFFFFFFC, s24  }
0x1ac: {  	s23 =	smin.u32 s28, s29  }
0x1ad: {  	s23 =	sshll.u32 s23, $0x9  }
0x1ae: {  	s23 =	sshra.s32 s23, $0x2;
	[tilespmem:s22+$0x30] =	vst v0  }
0x1af: {  	v0 =	vld [tilespmem:s23+$0x8000];
	_ =	sdelay $0x1  }
0x1b0: {  	s30 =	sadd.s32 $0x5, s24;
	s31 =	ssub.s32 $0xFFFFFFFB, s24  }
0x1b1: {  	s23 =	smin.u32 s30, s31  }
0x1b2: {  	s23 =	sshll.u32 s23, $0x9  }
0x1b3: {  	s23 =	sshra.s32 s23, $0x2;
	[tilespmem:s22+$0x40] =	vst v0  }
0x1b4: {  	v0 =	vld [tilespmem:s23+$0x8000];
	_ =	sdelay $0x1  }
0x1b5: {  	s25 =	sadd.s32 $0x6, s24;
	s26 =	ssub.s32 $0xFFFFFFFA, s24  }
0x1b6: {  	s23 =	smin.u32 s25, s26  }
0x1b7: {  	s23 =	sshll.u32 s23, $0x9  }
0x1b8: {  	s23 =	sshra.s32 s23, $0x2;
	[tilespmem:s22+$0x50] =	vst v0  }
0x1b9: {  	v0 =	vld [tilespmem:s23+$0x8000];
	_ =	sdelay $0x1  }
0x1ba: {  	s28 =	sadd.s32 $0x7, s24;
	s29 =	ssub.s32 $0xFFFFFFF9, s24  }
0x1bb: {  	s23 =	smin.u32 s28, s29  }
0x1bc: {  	s23 =	sshll.u32 s23, $0x9  }
0x1bd: {  	s23 =	sshra.s32 s23, $0x2;
	[tilespmem:s22+$0x60] =	vst v0  }
0x1be: {  	v0 =	vld [tilespmem:s23+$0x8000];
	_ =	sdelay $0x1  }
0x1bf: {  	s30 =	sadd.s32 $0x8, s24;
	s31 =	ssub.s32 $0xFFFFFFF8, s24  }
0x1c0: {  	s23 =	smin.u32 s30, s31  }
0x1c1: {  	s23 =	sshll.u32 s23, $0x9  }
0x1c2: {  	s23 =	sshra.s32 s23, $0x2;
	[tilespmem:s22+$0x70] =	vst v0  }
0x1c3: {  	v0 =	vld [tilespmem:s23+$0x8000];
	_ =	sdelay $0x1  }
0x1c4: {  	s25 =	sadd.s32 $0x9, s24;
	s26 =	ssub.s32 $0xFFFFFFF7, s24  }
0x1c5: {  	s23 =	smin.u32 s25, s26  }
0x1c6: {  	s23 =	sshll.u32 s23, $0x9  }
0x1c7: {  	s23 =	sshra.s32 s23, $0x2;
	[tilespmem:s22+$0x400] =	vst v0  }
0x1c8: {  	v0 =	vld [tilespmem:s23+$0x8000];
	_ =	sdelay $0x1  }
0x1c9: {  	s28 =	sadd.s32 $0xA, s24;
	s29 =	ssub.s32 $0xFFFFFFF6, s24  }
0x1ca: {  	s23 =	smin.u32 s28, s29  }
0x1cb: {  	s23 =	sshll.u32 s23, $0x9  }
0x1cc: {  	s23 =	sshra.s32 s23, $0x2;
	[tilespmem:s22+$0x410] =	vst v0  }
0x1cd: {  	v0 =	vld [tilespmem:s23+$0x8000];
	_ =	sdelay $0x1  }
0x1ce: {  	s30 =	sadd.s32 $0xB, s24;
	s31 =	ssub.s32 $0xFFFFFFF5, s24  }
0x1cf: {  	s23 =	smin.u32 s30, s31  }
0x1d0: {  	s23 =	sshll.u32 s23, $0x9  }
0x1d1: {  	s23 =	sshra.s32 s23, $0x2;
	[tilespmem:s22+$0x420] =	vst v0  }
0x1d2: {  	v0 =	vld [tilespmem:s23+$0x8000];
	_ =	sdelay $0x1  }
0x1d3: {  	s25 =	sadd.s32 $0xC, s24;
	s26 =	ssub.s32 $0xFFFFFFF4, s24  }
0x1d4: {  	s23 =	smin.u32 s25, s26  }
0x1d5: {  	s23 =	sshll.u32 s23, $0x9  }
0x1d6: {  	s23 =	sshra.s32 s23, $0x2;
	[tilespmem:s22+$0x430] =	vst v0  }
0x1d7: {  	v0 =	vld [tilespmem:s23+$0x8000];
	_ =	sdelay $0x1  }
0x1d8: {  	s28 =	sadd.s32 $0xD, s24;
	s29 =	ssub.s32 $0xFFFFFFF3, s24  }
0x1d9: {  	s23 =	smin.u32 s28, s29  }
0x1da: {  	s23 =	sshll.u32 s23, $0x9  }
0x1db: {  	s23 =	sshra.s32 s23, $0x2;
	[tilespmem:s22+$0x440] =	vst v0  }
0x1dc: {  	v0 =	vld [tilespmem:s23+$0x8000];
	_ =	sdelay $0x1  }
0x1dd: {  	s30 =	sadd.s32 $0xE, s24;
	s31 =	ssub.s32 $0xFFFFFFF2, s24  }
0x1de: {  	s23 =	smin.u32 s30, s31  }
0x1df: {  	s23 =	sshll.u32 s23, $0x9  }
0x1e0: {  	s23 =	sshra.s32 s23, $0x2;
	[tilespmem:s22+$0x450] =	vst v0  }
0x1e1: {  	v0 =	vld [tilespmem:s23+$0x8000];
	_ =	sdelay $0x1  }
0x1e2: {  	s25 =	sadd.s32 $0xF, s24;
	s26 =	ssub.s32 $0xFFFFFFF1, s24  }
0x1e3: {  	s23 =	smin.u32 s25, s26  }
0x1e4: {  	s23 =	sshll.u32 s23, $0x9  }
0x1e5: {  	s23 =	sshra.s32 s23, $0x2;
	[tilespmem:s22+$0x460] =	vst v0  }
0x1e6: {  	v0 =	vld [tilespmem:s23+$0x8000];
	_ =	sdelay $0x1  }
0x1e7: {  	s28 =	sadd.s32 $0x10, s24;
	s29 =	ssub.s32 $0xFFFFFFF0, s24  }
0x1e8: {  	s23 =	smin.u32 s28, s29  }
0x1e9: {  	s23 =	sshll.u32 s23, $0x9  }
0x1ea: {  	s23 =	sshra.s32 s23, $0x2;
	[tilespmem:s22+$0x470] =	vst v0  }
0x1eb: {  	v0 =	vld [tilespmem:s23+$0x8000];
	_ =	sdelay $0x1  }
0x1ec: {  	s30 =	sadd.s32 $0x11, s24;
	s31 =	ssub.s32 $0xFFFFFFEF, s24  }
0x1ed: {  	s23 =	smin.u32 s30, s31  }
0x1ee: {  	s23 =	sshll.u32 s23, $0x9  }
0x1ef: {  	s23 =	sshra.s32 s23, $0x2;
	[tilespmem:s22+$0x800] =	vst v0  }
0x1f0: {  	v0 =	vld [tilespmem:s23+$0x8000];
	_ =	sdelay $0x1  }
0x1f1: {  	s25 =	sadd.s32 $0x12, s24;
	s26 =	ssub.s32 $0xFFFFFFEE, s24  }
0x1f2: {  	s23 =	smin.u32 s25, s26  }
0x1f3: {  	s23 =	sshll.u32 s23, $0x9  }
0x1f4: {  	s23 =	sshra.s32 s23, $0x2;
	[tilespmem:s22+$0x810] =	vst v0  }
0x1f5: {  	v0 =	vld [tilespmem:s23+$0x8000];
	_ =	sdelay $0x1  }
0x1f6: {  	s28 =	sadd.s32 $0x13, s24;
	s29 =	ssub.s32 $0xFFFFFFED, s24  }
0x1f7: {  	s23 =	smin.u32 s28, s29  }
0x1f8: {  	s23 =	sshll.u32 s23, $0x9  }
0x1f9: {  	s23 =	sshra.s32 s23, $0x2;
	[tilespmem:s22+$0x820] =	vst v0  }
0x1fa: {  	v0 =	vld [tilespmem:s23+$0x8000];
	_ =	sdelay $0x1  }
0x1fb: {  	s30 =	sadd.s32 $0x14, s24;
	s31 =	ssub.s32 $0xFFFFFFEC, s24  }
0x1fc: {  	s23 =	smin.u32 s30, s31  }
0x1fd: {  	s23 =	sshll.u32 s23, $0x9  }
0x1fe: {  	s23 =	sshra.s32 s23, $0x2;
	[tilespmem:s22+$0x830] =	vst v0  }
0x1ff: {  	v0 =	vld [tilespmem:s23+$0x8000];
	_ =	sdelay $0x1  }
0x200: {  	s25 =	sadd.s32 $0x15, s24;
	s26 =	ssub.s32 $0xFFFFFFEB, s24  }
0x201: {  	s23 =	smin.u32 s25, s26  }
0x202: {  	s23 =	sshll.u32 s23, $0x9  }
0x203: {  	s23 =	sshra.s32 s23, $0x2;
	[tilespmem:s22+$0x840] =	vst v0  }
0x204: {  	v0 =	vld [tilespmem:s23+$0x8000];
	_ =	sdelay $0x1  }
0x205: {  	s28 =	sadd.s32 $0x16, s24;
	s29 =	ssub.s32 $0xFFFFFFEA, s24  }
0x206: {  	s23 =	smin.u32 s28, s29  }
0x207: {  	s23 =	sshll.u32 s23, $0x9  }
0x208: {  	s23 =	sshra.s32 s23, $0x2;
	[tilespmem:s22+$0x850] =	vst v0  }
0x209: {  	v0 =	vld [tilespmem:s23+$0x8000];
	_ =	sdelay $0x1  }
0x20a: {  	s30 =	sadd.s32 $0x17, s24;
	s31 =	ssub.s32 $0xFFFFFFE9, s24  }
0x20b: {  	s23 =	smin.u32 s30, s31  }
0x20c: {  	s23 =	sshll.u32 s23, $0x9  }
0x20d: {  	s23 =	sshra.s32 s23, $0x2;
	[tilespmem:s22+$0x860] =	vst v0  }
0x20e: {  	v0 =	vld [tilespmem:s23+$0x8000];
	_ =	sdelay $0x1  }
0x20f: {  	s25 =	sadd.s32 $0x18, s24;
	s26 =	ssub.s32 $0xFFFFFFE8, s24  }
0x210: {  	s23 =	smin.u32 s25, s26  }
0x211: {  	s23 =	sshll.u32 s23, $0x9  }
0x212: {  	s23 =	sshra.s32 s23, $0x2;
	[tilespmem:s22+$0x870] =	vst v0  }
0x213: {  	v0 =	vld [tilespmem:s23+$0x8000];
	_ =	sdelay $0x1  }
0x214: {  	s28 =	sadd.s32 $0x19, s24;
	s29 =	ssub.s32 $0xFFFFFFE7, s24  }
0x215: {  	s23 =	smin.u32 s28, s29  }
0x216: {  	s23 =	sshll.u32 s23, $0x9  }
0x217: {  	s23 =	sshra.s32 s23, $0x2;
	[tilespmem:s22+$0xC00] =	vst v0  }
0x218: {  	v0 =	vld [tilespmem:s23+$0x8000];
	_ =	sdelay $0x1  }
0x219: {  	s30 =	sadd.s32 $0x1A, s24;
	s31 =	ssub.s32 $0xFFFFFFE6, s24  }
0x21a: {  	s23 =	smin.u32 s30, s31  }
0x21b: {  	s23 =	sshll.u32 s23, $0x9  }
0x21c: {  	s23 =	sshra.s32 s23, $0x2;
	[tilespmem:s22+$0xC10] =	vst v0  }
0x21d: {  	v0 =	vld [tilespmem:s23+$0x8000];
	_ =	sdelay $0x1  }
0x21e: {  	s25 =	sadd.s32 $0x1B, s24;
	s26 =	ssub.s32 $0xFFFFFFE5, s24  }
0x21f: {  	s23 =	smin.u32 s25, s26  }
0x220: {  	s23 =	sshll.u32 s23, $0x9  }
0x221: {  	s23 =	sshra.s32 s23, $0x2;
	[tilespmem:s22+$0xC20] =	vst v0  }
0x222: {  	v0 =	vld [tilespmem:s23+$0x8000];
	_ =	sdelay $0x1  }
0x223: {  	s28 =	sadd.s32 $0x1C, s24;
	s29 =	ssub.s32 $0xFFFFFFE4, s24  }
0x224: {  	s23 =	smin.u32 s28, s29  }
0x225: {  	s23 =	sshll.u32 s23, $0x9  }
0x226: {  	s23 =	sshra.s32 s23, $0x2;
	[tilespmem:s22+$0xC30] =	vst v0  }
0x227: {  	v0 =	vld [tilespmem:s23+$0x8000];
	_ =	sdelay $0x1  }
0x228: {  	s30 =	sadd.s32 $0x1D, s24;
	s31 =	ssub.s32 $0xFFFFFFE3, s24  }
0x229: {  	s23 =	smin.u32 s30, s31  }
0x22a: {  	s23 =	sshll.u32 s23, $0x9  }
0x22b: {  	s23 =	sshra.s32 s23, $0x2;
	[tilespmem:s22+$0xC40] =	vst v0  }
0x22c: {  	v0 =	vld [tilespmem:s23+$0x8000];
	_ =	sdelay $0x1  }
0x22d: {  	s26 =	sadd.s32 $0x1E, s24;
	s28 =	ssub.s32 $0xFFFFFFE2, s24  }
0x22e: {  	s23 =	smin.u32 s26, s28  }
0x22f: {  	s23 =	sshll.u32 s23, $0x9  }
0x230: {  	s23 =	sshra.s32 s23, $0x2;
	[tilespmem:s22+$0xC50] =	vst v0  }
0x231: {  	v0 =	vld [tilespmem:s23+$0x8000];
	_ =	sdelay $0x1  }
0x232: {  	s29 =	sadd.s32 $0x1F, s24;
	s24 =	ssub.s32 $0xFFFFFFE1, s24  }
0x233: {  	s23 =	smin.u32 s29, s24  }
0x234: {  	s23 =	sshll.u32 s23, $0x9  }
0x235: {  	s23 =	sshra.s32 s23, $0x2;
	[tilespmem:s22+$0xC60] =	vst v0  }
0x236: {  	v0 =	vld [tilespmem:s23+$0x8000];
	_ =	sdelay $0x1  }
0x237: {  	s20 =	sshll.u32 s20, $0xD  }
0x238: {  	s20 =	sadd.s32 s20, s11  }
.Ltmp8:
0x239: {  	s30 =	sshrl.u32 s20, $0x3;
	s20 =	sadd.s32 $0x1400000, s20;
	(pc) =	sbr.rel .LBB2_10-.Ltmp8, $4  }
0x23a: {  	s31 =	sadd.s32 s2, s30;
	s20 =	sshrl.u32 s20, $0x3;
	[tilespmem:s22+$0xC70] =	vst v0  }
0x23b: {  	[hbm4b:s31+s4] =	stream.linear.scatter [tilespmem:s21], [sflag:$0x4], $0x2000, $0x38;
	[tilespmem:$0x1C000] =	vst v63  }
0x23c: {  	s20 =	sadd.s32 s2, s20  }
0x23d: {  	[hbm4b:s20+s4] =	stream.linear.scatter [tilespmem:s21], [sflag:$0x4], $0x2000, $0x38;
	[tilespmem:$0x1C000] =	vst v63  }
.LBB2_12:
0x23e: {  	_ =	sfence.sel $0x180000  }
0x23f: {  	[bflag:$0x0] =	sbarrier.arrive $0xFFFF  }
0x240: {  	p0 =	sne.s32 s3, $0x0;
	_ =	strace $0x90000047  }
0x241: {  	s0 =	sadd.s32 @!p0 $0x100000, s0;
	[bflag:$0x2] =	sbarrier.arrive $0xFFFF  }
0x242: {  	[sflag:s0] =	ssyncadd.tile.s32 @!p0 $0x1;
	_ =	shalt  }
.Lfunc_end2:
_tile_overlayer_lowered:
.L_overlay_start_2:
0x243: {  	(tag) =	ssettag $0x2  }
0x244: {  	s0 =	rddreg [dreg:$0x0];
	s2 =	stileid.u32  }
0x245: {  	s1 =	rddreg [dreg:$0x1];
	p0 =	sne.s32 s2, $0x0  }
0x246: {  	s3 =	rddreg [dreg:$0x2];
	[bflag:$0x3] =	sbarrier.arrive $0xFFFF;
	s2 =	simm.s32 @!p0 $0x1C05  }
0x247: {  	[timem:s3], [sflag:s2] =	dma.local @!p0 [hbm:s0], s1  }
0x248: {  	s0 =	simm.s32 @!p0 $0x5  }
0x249: {  	_ =	swait.ge @!p0 [sflag:s0], s1  }
0x24a: {  	s1 =	ssub.s32 @!p0 $0x0, s1;
	[sflag:s0] =	ssyncset.done @!p0 $0x0  }
0x24b: {  	[sflag:s0] =	ssyncadd.s32 @!p0 s1  }
0x24c: {  	[bflag:$0x3] =	sbarrier.arrive $0xFFFF  }
0x24d: {  	_ =	shalt  }

</sc_bundles>
